<compile_context>
chip_gen: v7x
topology: tpu7x:2x2x1
jax: 0.10.2.dev20260603
libtpu: 0.0.44.dev20260713+nightly
codegen_flags: <defaults>
</compile_context>

<pallas_src>
import functools

import jax
import jax.numpy as jnp
from jax import lax
from jax.experimental import pallas as pl
from jax.experimental.pallas import tpu as pltpu
from jax.experimental.pallas import tpu_sc as plsc

L = 16
NTILES = 16
NCORES = 2
NW = NTILES * NCORES
CHUNK = 4000

_sc_params = pltpu.CompilerParams(needs_layout_passes=False)
_mesh = plsc.VectorSubcoreMesh(core_axis_name="c", subcore_axis_name="s")


def _ploop(n, body, unroll=8):
    plsc.parallel_loop(0, n, 1, unroll=unroll)(body)


def _zero_range(tbl, n):
    zeros = jnp.zeros((L,), jnp.float32)

    def body(i):
        tbl[pl.ds(i * L, L)] = zeros

    _ploop(n // L, body)


def _phase_gather(T, b1, b2, b3, idx_hbm, attr_hbm, out_hbm, base, epw, sems):
    si = sems[0:2]
    sv = sems[2:4]
    so = sems[4:6]
    nch = epw // CHUNK

    def start_in(c, s):
        off = base + c * CHUNK
        pltpu.make_async_copy(idx_hbm.at[pl.ds(off, CHUNK)],
                              b1.at[pl.ds(s * CHUNK, CHUNK)], si[s]).start()
        if attr_hbm is not None:
            pltpu.make_async_copy(attr_hbm.at[pl.ds(off, CHUNK)],
                                  b2.at[pl.ds(s * CHUNK, CHUNK)], sv[s]).start()

    def wait_in(c, s):
        off = base + c * CHUNK
        pltpu.make_async_copy(idx_hbm.at[pl.ds(off, CHUNK)],
                              b1.at[pl.ds(s * CHUNK, CHUNK)], si[s]).wait()
        if attr_hbm is not None:
            pltpu.make_async_copy(attr_hbm.at[pl.ds(off, CHUNK)],
                                  b2.at[pl.ds(s * CHUNK, CHUNK)], sv[s]).wait()

    def start_out(c, s):
        off = base + c * CHUNK
        pltpu.make_async_copy(b3.at[pl.ds(s * CHUNK, CHUNK)],
                              out_hbm.at[pl.ds(off, CHUNK)], so[s]).start()

    def wait_out(c, s):
        off = base + c * CHUNK
        pltpu.make_async_copy(b3.at[pl.ds(s * CHUNK, CHUNK)],
                              out_hbm.at[pl.ds(off, CHUNK)], so[s]).wait()

    start_in(0, 0)

    def pair(p, carry):
        for s in (0, 1):
            c = p * 2 + s

            @pl.when(c + 1 < nch)
            def _next(s=s, c=c):
                start_in(c + 1, 1 - s)

            wait_in(c, s)

            @pl.when(c >= 2)
            def _drain(s=s, c=c):
                wait_out(c - 2, s)

            if attr_hbm is not None:
                def vec(j, s=s):
                    d = pl.ds(s * CHUNK + j * L, L)
                    iv = b1[d]
                    b3[d] = plsc.load_gather(T, [iv]) * b2[d]
            else:
                def vec(j, s=s):
                    d = pl.ds(s * CHUNK + j * L, L)
                    iv = b1[d]
                    b3[d] = plsc.load_gather(T, [iv])

            _ploop(CHUNK // L, vec)
            start_out(c, s)
        return carry

    lax.fori_loop(0, nch // 2, pair, 0)
    if nch % 2:
        c = nch - 1

        @pl.when(c >= 2)
        def _drain_tail():
            wait_out(c - 2, 0)

        wait_in(c, 0)
        if attr_hbm is not None:
            def vect(j):
                d = pl.ds(j * L, L)
                b3[d] = plsc.load_gather(T, [b1[d]]) * b2[d]
        else:
            def vect(j):
                d = pl.ds(j * L, L)
                b3[d] = plsc.load_gather(T, [b1[d]])
        _ploop(CHUNK // L, vect)
        start_out(c, 0)
        wait_out(nch - 2, 1)
        wait_out(nch - 1, 0)
    else:
        wait_out(nch - 2, 0)
        wait_out(nch - 1, 1)


def _phase_scatter(T, b1, b2, idx_hbm, val_hbm, base, epw, sems):
    si = sems[0:2]
    sv = sems[2:4]
    nch = epw // CHUNK

    def start_in(c, s):
        off = base + c * CHUNK
        pltpu.make_async_copy(idx_hbm.at[pl.ds(off, CHUNK)],
                              b1.at[pl.ds(s * CHUNK, CHUNK)], si[s]).start()
        pltpu.make_async_copy(val_hbm.at[pl.ds(off, CHUNK)],
                              b2.at[pl.ds(s * CHUNK, CHUNK)], sv[s]).start()

    def wait_in(c, s):
        off = base + c * CHUNK
        pltpu.make_async_copy(idx_hbm.at[pl.ds(off, CHUNK)],
                              b1.at[pl.ds(s * CHUNK, CHUNK)], si[s]).wait()
        pltpu.make_async_copy(val_hbm.at[pl.ds(off, CHUNK)],
                              b2.at[pl.ds(s * CHUNK, CHUNK)], sv[s]).wait()

    start_in(0, 0)

    def pair(p, carry):
        for s in (0, 1):
            c = p * 2 + s

            @pl.when(c + 1 < nch)
            def _next(s=s, c=c):
                start_in(c + 1, 1 - s)

            wait_in(c, s)

            def vec(j, s=s):
                d = pl.ds(s * CHUNK + j * L, L)
                plsc.addupdate_scatter(T, [b1[d]], b2[d])

            _ploop(CHUNK // L, vec)
        return carry

    lax.fori_loop(0, nch // 2, pair, 0)
    if nch % 2:
        c = nch - 1
        wait_in(c, 0)

        def vect(j):
            d = pl.ds(j * L, L)
            plsc.addupdate_scatter(T, [b1[d]], b2[d])

        _ploop(CHUNK // L, vect)


def _k1_body(np_, epw, var0_hbm, cidx_hbm, vidx_hbm, attr_hbm,
             prod_hbm, part_hbm, T, b1, b2, b3, *sems):
    cid = lax.axis_index("c")
    sid = lax.axis_index("s")
    wid = sid * NCORES + cid
    base = wid * epw

    pltpu.sync_copy(var0_hbm, T)
    _phase_gather(T, b1, b2, b3, vidx_hbm, attr_hbm, prod_hbm, base, epw, sems)
    _zero_range(T, np_)
    _phase_scatter(T, b1, b2, cidx_hbm, prod_hbm, base, epw, sems)
    pltpu.sync_copy(T, part_hbm.at[wid])


def _k2_body(np_, epw, nodeval_hbm, cidx_hbm, vidx_hbm,
             prod_hbm, part_hbm, T, b1, b2, b3, *sems):
    cid = lax.axis_index("c")
    sid = lax.axis_index("s")
    wid = sid * NCORES + cid
    base = wid * epw

    pltpu.sync_copy(nodeval_hbm, T)
    _phase_gather(T, b1, b2, b3, cidx_hbm, None, prod_hbm, base, epw, sems)
    _zero_range(T, np_)
    _phase_scatter(T, b1, b2, vidx_hbm, prod_hbm, base, epw, sems)
    pltpu.sync_copy(T, part_hbm.at[wid])


def _tc_nodeval_body(p_ref, c_ref, o_ref):
    o_ref[...] = jnp.sum(p_ref[...], axis=0) + c_ref[...]


def _tc_finish_body(p_ref, m_ref, o_ref):
    o_ref[...] = jnp.sum(p_ref[...], axis=0) * m_ref[...]


def _tc_reduce(body, part, vec, np_):
    bc = np_ // 14
    return pl.pallas_call(
        body,
        grid=(14,),
        in_specs=[
            pl.BlockSpec((NW, bc), lambda i: (0, i)),
            pl.BlockSpec((bc,), lambda i: (i,)),
        ],
        out_specs=pl.BlockSpec((bc,), lambda i: (i,)),
        out_shape=jax.ShapeDtypeStruct((np_,), jnp.float32),
    )(part, vec)


@jax.jit
def kernel(constraint, variable, cv_edge_index, edge_attr, cand_mask):
    n_c = constraint.shape[0]
    n_v = variable.shape[0]
    e = edge_attr.shape[0]
    n = max(n_c, n_v)
    np_ = ((n + NTILES * L * 8 - 1) // (NTILES * L * 8)) * (NTILES * L * 8)
    epw = e // NW
    assert epw * NW == e and epw % CHUNK == 0
    bufn = 2 * CHUNK

    c_idx = cv_edge_index[0]
    v_idx = cv_edge_index[1]
    var0 = jnp.concatenate([variable[:, 0], jnp.zeros((np_ - n_v,), jnp.float32)])
    con1 = jnp.concatenate([constraint[:, 1], jnp.zeros((np_ - n_c,), jnp.float32)])
    maskf = jnp.concatenate([cand_mask.astype(jnp.float32),
                             jnp.zeros((np_ - n_v,), jnp.float32)])

    sc_scratch = [
        pltpu.VMEM((np_,), jnp.float32),
        pltpu.VMEM((2 * CHUNK,), jnp.int32),
        pltpu.VMEM((bufn,), jnp.float32),
        pltpu.VMEM((bufn,), jnp.float32),
    ] + [pltpu.SemaphoreType.DMA] * 6

    k1 = pl.kernel(
        functools.partial(_k1_body, np_, epw),
        out_type=(
            jax.ShapeDtypeStruct((e,), jnp.float32),
            jax.ShapeDtypeStruct((NW, np_), jnp.float32),
        ),
        mesh=_mesh,
        scratch_types=sc_scratch,
        compiler_params=_sc_params,
    )
    _prod, part1 = k1(var0, c_idx, v_idx, edge_attr)

    nodeval = _tc_reduce(_tc_nodeval_body, part1, con1, np_)

    k2 = pl.kernel(
        functools.partial(_k2_body, np_, epw),
        out_type=(
            jax.ShapeDtypeStruct((e,), jnp.float32),
            jax.ShapeDtypeStruct((NW, np_), jnp.float32),
        ),
        mesh=_mesh,
        scratch_types=sc_scratch,
        compiler_params=_sc_params,
    )
    _prod2, part2 = k2(nodeval, c_idx, v_idx)

    out = _tc_reduce(_tc_finish_body, part2, maskf, np_)
    return out[:n_v]

# --- scband reference (transcript-rebuilt; emitter-appended) ---
"""Pipeline reference for scband-expression-78280073937529 (READ-ONLY COPY).

The authoritative reference and input builder live on the scoring server;
editing this copy changes nothing except your own understanding.
"""

import jax, jax.numpy as jnp
import numpy as np

N_C = 100000
N_V = 100000
E = 3200000

def setup_inputs(seed: int = 0) -> dict:
    key = jax.random.key(seed)
    k1, k2, k3, k4 = jax.random.split(key, 4)
    constraint = jax.random.normal(k1, (N_C, 4), dtype=jnp.float32)
    variable = jax.random.normal(k2, (N_V, 4), dtype=jnp.float32)
    cv_edge_index = jax.random.randint(k3, (2, E), 0, 100000, dtype=jnp.int32)
    edge_attr = jax.random.normal(k4, (E,), dtype=jnp.float32)
    cand_mask = jnp.ones((N_V,), dtype=bool)
    return {"constraint": constraint, "variable": variable, "cv_edge_index": cv_edge_index, "edge_attr": edge_attr, "cand_mask": cand_mask}

def reference(constraint, variable, cv_edge_index, edge_attr, cand_mask):
    # Faithful translation of Expression.forward with the compiled expression:
    # alloc: variable_1_0 = variable[:,0][v_edge_index]; constraint_1_1 = constraint[:,1][c_edge_index]
    # expr : zeros(n_v).index_add_(0, v_edge_index, zeros(n_c).index_add_(0, c_edge_index, variable_1_0*edge_attr)[c_edge_index] + constraint_1_1)
    c_edge_index = cv_edge_index[0]
    v_edge_index = cv_edge_index[1]
    variable_1_0 = variable[:, 0][v_edge_index]
    constraint_1_1 = constraint[:, 1][c_edge_index]
    agg_c = jnp.zeros((constraint.shape[0],), dtype=constraint.dtype).at[c_edge_index].add(variable_1_0 * edge_attr)
    result = jnp.zeros((variable.shape[0],), dtype=variable.dtype).at[v_edge_index].add(agg_c[c_edge_index] + constraint_1_1)
    return jnp.where(cand_mask, result, jnp.zeros((), dtype=result.dtype))

if __name__ == "__main__":
    import jax
    _d = setup_inputs()
    print(jax.jit(kernel)(*tuple(_d.values())))

</pallas_src>

<mosaic_0001>
#map = affine_map<(d0, d1) -> (0)>
#map1 = affine_map<(d0, d1) -> (0, 0)>
module attributes {stable_mosaic.version = 14 : i64} {
  func.func @_k1_body(%arg0: i32, %arg1: i32, %arg2: memref<100352xf32, #tpu.memory_space<hbm>>, %arg3: memref<3200000xi32, #tpu.memory_space<hbm>>, %arg4: memref<3200000xi32, #tpu.memory_space<hbm>>, %arg5: memref<3200000xf32, #tpu.memory_space<hbm>>, %arg6: memref<3200000xf32, #tpu.memory_space<hbm>>, %arg7: memref<32x100352xf32, #tpu.memory_space<hbm>>, %arg8: memref<100352xf32, #tpu.memory_space<vmem>>, %arg9: memref<8000xi32, #tpu.memory_space<vmem>>, %arg10: memref<8000xf32, #tpu.memory_space<vmem>>, %arg11: memref<8000xf32, #tpu.memory_space<vmem>>, %arg12: memref<!tpu.dma_semaphore, #tpu.memory_space<semaphore_mem>>, %arg13: memref<!tpu.dma_semaphore, #tpu.memory_space<semaphore_mem>>, %arg14: memref<!tpu.dma_semaphore, #tpu.memory_space<semaphore_mem>>, %arg15: memref<!tpu.dma_semaphore, #tpu.memory_space<semaphore_mem>>, %arg16: memref<!tpu.dma_semaphore, #tpu.memory_space<semaphore_mem>>, %arg17: memref<!tpu.dma_semaphore, #tpu.memory_space<semaphore_mem>>) attributes {dimension_semantics = [#tpu.dimension_semantics<core_parallel>, #tpu.dimension_semantics<subcore_parallel>], iteration_bounds = array<i64: 2, 16>, scalar_prefetch = 0 : i64, scratch_operands = 10 : i64, tpu.core_type = #tpu.core_type<sc_vector_subcore>, window_params = [{transform_indices = #map}, {transform_indices = #map}, {transform_indices = #map}, {transform_indices = #map}, {transform_indices = #map}, {transform_indices = #map1}]} {
    %mul3A = arith.constant 2 : i32
    %mul3A_0 = arith.muli %arg1, %mul3A : i32
    %add3A = arith.addi %mul3A_0, %arg0 : i32
    %mul3A_1 = arith.constant 100000 : i32
    %mul3A_2 = arith.muli %add3A, %mul3A_1 : i32
    "tpu.region"() ({
      %run_scoped3A = tpu.sem_alloc : memref<!tpu.dma_semaphore, #tpu.memory_space<semaphore_mem>>
      tpu.enqueue_dma source(%arg2 : memref<100352xf32, #tpu.memory_space<hbm>>) target(%arg8 : memref<100352xf32, #tpu.memory_space<vmem>>) target_semaphore(%run_scoped3A : memref<!tpu.dma_semaphore, #tpu.memory_space<semaphore_mem>>)
      tpu.wait_dma2 semaphore(%run_scoped3A : memref<!tpu.dma_semaphore, #tpu.memory_space<semaphore_mem>>) src(%arg2 : memref<100352xf32, #tpu.memory_space<hbm>>) dst(%arg8 : memref<100352xf32, #tpu.memory_space<vmem>>)
      tpu.yield
    }) : () -> ()
    %add3A_3 = arith.constant 0 : i32
    %add3A_4 = arith.addi %mul3A_2, %add3A_3 : i32
    %dma_start3A = arith.constant 0 : i32
    %dma_start3A_5 = tpu.memref_slice %arg9[%dma_start3A] : memref<8000xi32, #tpu.memory_space<vmem>> -> memref<4000xi32, #tpu.memory_space<vmem>>
    %dma_start3A_6 = tpu.memref_slice %arg4[%add3A_4] : memref<3200000xi32, #tpu.memory_space<hbm>> -> memref<4000xi32, #tpu.memory_space<hbm>>
    %dma_start3A_7 = arith.constant 0 : i32
    %dma_start3A_8 = tpu.memref_slice %arg9[%dma_start3A_7] : memref<8000xi32, #tpu.memory_space<vmem>> -> memref<4000xi32, #tpu.memory_space<vmem>>
    %dma_start3A_9 = tpu.memref_slice %arg4[%add3A_4] : memref<3200000xi32, #tpu.memory_space<hbm>> -> memref<4000xi32, #tpu.memory_space<hbm>>
    tpu.enqueue_dma source(%dma_start3A_9 : memref<4000xi32, #tpu.memory_space<hbm>>) target(%dma_start3A_8 : memref<4000xi32, #tpu.memory_space<vmem>>) target_semaphore(%arg12 : memref<!tpu.dma_semaphore, #tpu.memory_space<semaphore_mem>>)
    %dma_start3A_10 = arith.constant 0 : i32
    %dma_start3A_11 = tpu.memref_slice %arg10[%dma_start3A_10] : memref<8000xf32, #tpu.memory_space<vmem>> -> memref<4000xf32, #tpu.memory_space<vmem>>
    %dma_start3A_12 = tpu.memref_slice %arg5[%add3A_4] : memref<3200000xf32, #tpu.memory_space<hbm>> -> memref<4000xf32, #tpu.memory_space<hbm>>
    %dma_start3A_13 = arith.constant 0 : i32
    %dma_start3A_14 = tpu.memref_slice %arg10[%dma_start3A_13] : memref<8000xf32, #tpu.memory_space<vmem>> -> memref<4000xf32, #tpu.memory_space<vmem>>
    %dma_start3A_15 = tpu.memref_slice %arg5[%add3A_4] : memref<3200000xf32, #tpu.memory_space<hbm>> -> memref<4000xf32, #tpu.memory_space<hbm>>
    tpu.enqueue_dma source(%dma_start3A_15 : memref<4000xf32, #tpu.memory_space<hbm>>) target(%dma_start3A_14 : memref<4000xf32, #tpu.memory_space<vmem>>) target_semaphore(%arg14 : memref<!tpu.dma_semaphore, #tpu.memory_space<semaphore_mem>>)
    %scan3A = arith.constant 0 : i32
    %scan3A_16 = arith.constant 0 : i32
    %scan3A_17 = arith.constant 12 : i32
    %scan3A_18 = arith.addi %scan3A_16, %scan3A_17 : i32
    %scan3A_19 = arith.constant 1 : i32
    scf.for %scan3A_109 = %scan3A_16 to %scan3A_18 step %scan3A_19  : i32 {
      %mul3A_110 = arith.constant 2 : i32
      %mul3A_111 = arith.muli %scan3A_109, %mul3A_110 : i32
      %add3A_112 = arith.constant 0 : i32
      %add3A_113 = arith.addi %mul3A_111, %add3A_112 : i32
      %add3A_114 = arith.constant 1 : i32
      %add3A_115 = arith.addi %add3A_113, %add3A_114 : i32
      %lt3A = arith.constant 25 : i32
      %lt3A_116 = arith.cmpi slt, %add3A_115, %lt3A : i32
      %convert_element_type3A = arith.extui %lt3A_116 : i1 to i32
      %cond3A = arith.constant 0 : i32
      %cond3A_117 = arith.cmpi ne, %convert_element_type3A, %cond3A : i32
      scf.if %cond3A_117 {
        %add3A_192 = arith.constant 1 : i32
        %add3A_193 = arith.addi %add3A_113, %add3A_192 : i32
        %mul3A_194 = arith.constant 4000 : i32
        %mul3A_195 = arith.muli %add3A_193, %mul3A_194 : i32
        %add3A_196 = arith.addi %mul3A_2, %mul3A_195 : i32
        %dma_start3A_197 = arith.constant 4000 : i32
        %dma_start3A_198 = tpu.memref_slice %arg9[%dma_start3A_197] : memref<8000xi32, #tpu.memory_space<vmem>> -> memref<4000xi32, #tpu.memory_space<vmem>>
        %dma_start3A_199 = tpu.memref_slice %arg4[%add3A_196] : memref<3200000xi32, #tpu.memory_space<hbm>> -> memref<4000xi32, #tpu.memory_space<hbm>>
        %dma_start3A_200 = arith.constant 4000 : i32
        %dma_start3A_201 = tpu.memref_slice %arg9[%dma_start3A_200] : memref<8000xi32, #tpu.memory_space<vmem>> -> memref<4000xi32, #tpu.memory_space<vmem>>
        %dma_start3A_202 = tpu.memref_slice %arg4[%add3A_196] : memref<3200000xi32, #tpu.memory_space<hbm>> -> memref<4000xi32, #tpu.memory_space<hbm>>
        tpu.enqueue_dma source(%dma_start3A_202 : memref<4000xi32, #tpu.memory_space<hbm>>) target(%dma_start3A_201 : memref<4000xi32, #tpu.memory_space<vmem>>) target_semaphore(%arg13 : memref<!tpu.dma_semaphore, #tpu.memory_space<semaphore_mem>>)
        %dma_start3A_203 = arith.constant 4000 : i32
        %dma_start3A_204 = tpu.memref_slice %arg10[%dma_start3A_203] : memref<8000xf32, #tpu.memory_space<vmem>> -> memref<4000xf32, #tpu.memory_space<vmem>>
        %dma_start3A_205 = tpu.memref_slice %arg5[%add3A_196] : memref<3200000xf32, #tpu.memory_space<hbm>> -> memref<4000xf32, #tpu.memory_space<hbm>>
        %dma_start3A_206 = arith.constant 4000 : i32
        %dma_start3A_207 = tpu.memref_slice %arg10[%dma_start3A_206] : memref<8000xf32, #tpu.memory_space<vmem>> -> memref<4000xf32, #tpu.memory_space<vmem>>
        %dma_start3A_208 = tpu.memref_slice %arg5[%add3A_196] : memref<3200000xf32, #tpu.memory_space<hbm>> -> memref<4000xf32, #tpu.memory_space<hbm>>
        tpu.enqueue_dma source(%dma_start3A_208 : memref<4000xf32, #tpu.memory_space<hbm>>) target(%dma_start3A_207 : memref<4000xf32, #tpu.memory_space<vmem>>) target_semaphore(%arg15 : memref<!tpu.dma_semaphore, #tpu.memory_space<semaphore_mem>>)
      } else {
      }
      %mul3A_118 = arith.constant 4000 : i32
      %mul3A_119 = arith.muli %add3A_113, %mul3A_118 : i32
      %add3A_120 = arith.addi %mul3A_2, %mul3A_119 : i32
      %dma_wait3A_121 = arith.constant 0 : i32
      %dma_wait3A_122 = tpu.memref_slice %arg9[%dma_wait3A_121] : memref<8000xi32, #tpu.memory_space<vmem>> -> memref<4000xi32, #tpu.memory_space<vmem>>
      %dma_wait3A_123 = tpu.memref_slice %arg4[%add3A_120] : memref<3200000xi32, #tpu.memory_space<hbm>> -> memref<4000xi32, #tpu.memory_space<hbm>>
      %dma_wait3A_124 = arith.constant 0 : i32
      %dma_wait3A_125 = tpu.memref_slice %arg9[%dma_wait3A_124] : memref<8000xi32, #tpu.memory_space<vmem>> -> memref<4000xi32, #tpu.memory_space<vmem>>
      %dma_wait3A_126 = tpu.memref_slice %arg4[%add3A_120] : memref<3200000xi32, #tpu.memory_space<hbm>> -> memref<4000xi32, #tpu.memory_space<hbm>>
      tpu.wait_dma2 semaphore(%arg12 : memref<!tpu.dma_semaphore, #tpu.memory_space<semaphore_mem>>) src(%dma_wait3A_126 : memref<4000xi32, #tpu.memory_space<hbm>>) dst(%dma_wait3A_125 : memref<4000xi32, #tpu.memory_space<vmem>>)
      %dma_wait3A_127 = arith.constant 0 : i32
      %dma_wait3A_128 = tpu.memref_slice %arg10[%dma_wait3A_127] : memref<8000xf32, #tpu.memory_space<vmem>> -> memref<4000xf32, #tpu.memory_space<vmem>>
      %dma_wait3A_129 = tpu.memref_slice %arg5[%add3A_120] : memref<3200000xf32, #tpu.memory_space<hbm>> -> memref<4000xf32, #tpu.memory_space<hbm>>
      %dma_wait3A_130 = arith.constant 0 : i32
      %dma_wait3A_131 = tpu.memref_slice %arg10[%dma_wait3A_130] : memref<8000xf32, #tpu.memory_space<vmem>> -> memref<4000xf32, #tpu.memory_space<vmem>>
      %dma_wait3A_132 = tpu.memref_slice %arg5[%add3A_120] : memref<3200000xf32, #tpu.memory_space<hbm>> -> memref<4000xf32, #tpu.memory_space<hbm>>
      tpu.wait_dma2 semaphore(%arg14 : memref<!tpu.dma_semaphore, #tpu.memory_space<semaphore_mem>>) src(%dma_wait3A_132 : memref<4000xf32, #tpu.memory_space<hbm>>) dst(%dma_wait3A_131 : memref<4000xf32, #tpu.memory_space<vmem>>)
      %ge3A = arith.constant 2 : i32
      %ge3A_133 = arith.cmpi sge, %add3A_113, %ge3A : i32
      %convert_element_type3A_134 = arith.extui %ge3A_133 : i1 to i32
      %cond3A_135 = arith.constant 0 : i32
      %cond3A_136 = arith.cmpi ne, %convert_element_type3A_134, %cond3A_135 : i32
      scf.if %cond3A_136 {
        %sub3A = arith.constant 2 : i32
        %sub3A_192 = arith.subi %add3A_113, %sub3A : i32
        %mul3A_193 = arith.constant 4000 : i32
        %mul3A_194 = arith.muli %sub3A_192, %mul3A_193 : i32
        %add3A_195 = arith.addi %mul3A_2, %mul3A_194 : i32
        %dma_wait3A_196 = arith.constant 0 : i32
        %dma_wait3A_197 = tpu.memref_slice %arg11[%dma_wait3A_196] : memref<8000xf32, #tpu.memory_space<vmem>> -> memref<4000xf32, #tpu.memory_space<vmem>>
        %dma_wait3A_198 = tpu.memref_slice %arg6[%add3A_195] : memref<3200000xf32, #tpu.memory_space<hbm>> -> memref<4000xf32, #tpu.memory_space<hbm>>
        %dma_wait3A_199 = tpu.memref_slice %arg6[%add3A_195] : memref<3200000xf32, #tpu.memory_space<hbm>> -> memref<4000xf32, #tpu.memory_space<hbm>>
        %dma_wait3A_200 = arith.constant 0 : i32
        %dma_wait3A_201 = tpu.memref_slice %arg11[%dma_wait3A_200] : memref<8000xf32, #tpu.memory_space<vmem>> -> memref<4000xf32, #tpu.memory_space<vmem>>
        tpu.wait_dma2 semaphore(%arg16 : memref<!tpu.dma_semaphore, #tpu.memory_space<semaphore_mem>>) src(%dma_wait3A_201 : memref<4000xf32, #tpu.memory_space<vmem>>) dst(%dma_wait3A_199 : memref<4000xf32, #tpu.memory_space<hbm>>)
      } else {
      }
      %parallel_loop3A_137 = arith.constant 0 : i32
      %parallel_loop3A_138 = arith.constant 250 : i32
      %parallel_loop3A_139 = arith.constant 1 : i32
      scf.for %parallel_loop3A_192 = %parallel_loop3A_137 to %parallel_loop3A_138 step %parallel_loop3A_139  : i32 {
        %parallel_loop3A_193 = arith.constant 16 : i32
        %parallel_loop3A_194 = arith.muli %parallel_loop3A_192, %parallel_loop3A_193 : i32
        %parallel_loop3A_195 = arith.constant 0 : i32
        %parallel_loop3A_196 = arith.addi %parallel_loop3A_195, %parallel_loop3A_194 : i32
        %parallel_loop3A_197 = arith.index_cast %parallel_loop3A_196 : i32 to index
        %parallel_loop3A_198 = tpu.vector_load %arg9[%parallel_loop3A_197] {strides = array<i32>} : memref<8000xi32, #tpu.memory_space<vmem>>, vector<16xi32>,
        %parallel_loop3A_199 = tpu.vector_load_idx %arg8[%parallel_loop3A_198] : memref<100352xf32, #tpu.memory_space<vmem>>[vector<16xi32>], vector<16xf32>,
        %parallel_loop3A_200 = arith.index_cast %parallel_loop3A_196 : i32 to index
        %parallel_loop3A_201 = tpu.vector_load %arg10[%parallel_loop3A_200] {strides = array<i32>} : memref<8000xf32, #tpu.memory_space<vmem>>, vector<16xf32>,
        %parallel_loop3A_202 = arith.mulf %parallel_loop3A_199, %parallel_loop3A_201 : vector<16xf32>
        %parallel_loop3A_203 = arith.index_cast %parallel_loop3A_196 : i32 to index
        %parallel_loop3A_204 = tpu.vector_load %arg11[%parallel_loop3A_203] {strides = array<i32>} : memref<8000xf32, #tpu.memory_space<vmem>>, vector<16xf32>,
        tpu.vector_store %arg11[%parallel_loop3A_203], %parallel_loop3A_202 {strides = array<i32>} : memref<8000xf32, #tpu.memory_space<vmem>>, vector<16xf32>,
      } {sc.loop_unroll_factor = 8 : i64, sc.parallel_access}
      %mul3A_140 = arith.constant 4000 : i32
      %mul3A_141 = arith.muli %add3A_113, %mul3A_140 : i32
      %add3A_142 = arith.addi %mul3A_2, %mul3A_141 : i32
      %dma_start3A_143 = arith.constant 0 : i32
      %dma_start3A_144 = tpu.memref_slice %arg11[%dma_start3A_143] : memref<8000xf32, #tpu.memory_space<vmem>> -> memref<4000xf32, #tpu.memory_space<vmem>>
      %dma_start3A_145 = tpu.memref_slice %arg6[%add3A_142] : memref<3200000xf32, #tpu.memory_space<hbm>> -> memref<4000xf32, #tpu.memory_space<hbm>>
      %dma_start3A_146 = tpu.memref_slice %arg6[%add3A_142] : memref<3200000xf32, #tpu.memory_space<hbm>> -> memref<4000xf32, #tpu.memory_space<hbm>>
      %dma_start3A_147 = arith.constant 0 : i32
      %dma_start3A_148 = tpu.memref_slice %arg11[%dma_start3A_147] : memref<8000xf32, #tpu.memory_space<vmem>> -> memref<4000xf32, #tpu.memory_space<vmem>>
      tpu.enqueue_dma source(%dma_start3A_148 : memref<4000xf32, #tpu.memory_space<vmem>>) target(%dma_start3A_146 : memref<4000xf32, #tpu.memory_space<hbm>>) target_semaphore(%arg16 : memref<!tpu.dma_semaphore, #tpu.memory_space<semaphore_mem>>)
      %mul3A_149 = arith.constant 2 : i32
      %mul3A_150 = arith.muli %scan3A_109, %mul3A_149 : i32
      %add3A_151 = arith.constant 1 : i32
      %add3A_152 = arith.addi %mul3A_150, %add3A_151 : i32
      %add3A_153 = arith.constant 1 : i32
      %add3A_154 = arith.addi %add3A_152, %add3A_153 : i32
      %lt3A_155 = arith.constant 25 : i32
      %lt3A_156 = arith.cmpi slt, %add3A_154, %lt3A_155 : i32
      %convert_element_type3A_157 = arith.extui %lt3A_156 : i1 to i32
      %cond3A_158 = arith.constant 0 : i32
      %cond3A_159 = arith.cmpi ne, %convert_element_type3A_157, %cond3A_158 : i32
      scf.if %cond3A_159 {
        %add3A_192 = arith.constant 1 : i32
        %add3A_193 = arith.addi %add3A_152, %add3A_192 : i32
        %mul3A_194 = arith.constant 4000 : i32
        %mul3A_195 = arith.muli %add3A_193, %mul3A_194 : i32
        %add3A_196 = arith.addi %mul3A_2, %mul3A_195 : i32
        %dma_start3A_197 = arith.constant 0 : i32
        %dma_start3A_198 = tpu.memref_slice %arg9[%dma_start3A_197] : memref<8000xi32, #tpu.memory_space<vmem>> -> memref<4000xi32, #tpu.memory_space<vmem>>
        %dma_start3A_199 = tpu.memref_slice %arg4[%add3A_196] : memref<3200000xi32, #tpu.memory_space<hbm>> -> memref<4000xi32, #tpu.memory_space<hbm>>
        %dma_start3A_200 = arith.constant 0 : i32
        %dma_start3A_201 = tpu.memref_slice %arg9[%dma_start3A_200] : memref<8000xi32, #tpu.memory_space<vmem>> -> memref<4000xi32, #tpu.memory_space<vmem>>
        %dma_start3A_202 = tpu.memref_slice %arg4[%add3A_196] : memref<3200000xi32, #tpu.memory_space<hbm>> -> memref<4000xi32, #tpu.memory_space<hbm>>
        tpu.enqueue_dma source(%dma_start3A_202 : memref<4000xi32, #tpu.memory_space<hbm>>) target(%dma_start3A_201 : memref<4000xi32, #tpu.memory_space<vmem>>) target_semaphore(%arg12 : memref<!tpu.dma_semaphore, #tpu.memory_space<semaphore_mem>>)
        %dma_start3A_203 = arith.constant 0 : i32
        %dma_start3A_204 = tpu.memref_slice %arg10[%dma_start3A_203] : memref<8000xf32, #tpu.memory_space<vmem>> -> memref<4000xf32, #tpu.memory_space<vmem>>
        %dma_start3A_205 = tpu.memref_slice %arg5[%add3A_196] : memref<3200000xf32, #tpu.memory_space<hbm>> -> memref<4000xf32, #tpu.memory_space<hbm>>
        %dma_start3A_206 = arith.constant 0 : i32
        %dma_start3A_207 = tpu.memref_slice %arg10[%dma_start3A_206] : memref<8000xf32, #tpu.memory_space<vmem>> -> memref<4000xf32, #tpu.memory_space<vmem>>
        %dma_start3A_208 = tpu.memref_slice %arg5[%add3A_196] : memref<3200000xf32, #tpu.memory_space<hbm>> -> memref<4000xf32, #tpu.memory_space<hbm>>
        tpu.enqueue_dma source(%dma_start3A_208 : memref<4000xf32, #tpu.memory_space<hbm>>) target(%dma_start3A_207 : memref<4000xf32, #tpu.memory_space<vmem>>) target_semaphore(%arg14 : memref<!tpu.dma_semaphore, #tpu.memory_space<semaphore_mem>>)
      } else {
      }
      %mul3A_160 = arith.constant 4000 : i32
      %mul3A_161 = arith.muli %add3A_152, %mul3A_160 : i32
      %add3A_162 = arith.addi %mul3A_2, %mul3A_161 : i32
      %dma_wait3A_163 = arith.constant 4000 : i32
      %dma_wait3A_164 = tpu.memref_slice %arg9[%dma_wait3A_163] : memref<8000xi32, #tpu.memory_space<vmem>> -> memref<4000xi32, #tpu.memory_space<vmem>>
      %dma_wait3A_165 = tpu.memref_slice %arg4[%add3A_162] : memref<3200000xi32, #tpu.memory_space<hbm>> -> memref<4000xi32, #tpu.memory_space<hbm>>
      %dma_wait3A_166 = arith.constant 4000 : i32
      %dma_wait3A_167 = tpu.memref_slice %arg9[%dma_wait3A_166] : memref<8000xi32, #tpu.memory_space<vmem>> -> memref<4000xi32, #tpu.memory_space<vmem>>
      %dma_wait3A_168 = tpu.memref_slice %arg4[%add3A_162] : memref<3200000xi32, #tpu.memory_space<hbm>> -> memref<4000xi32, #tpu.memory_space<hbm>>
      tpu.wait_dma2 semaphore(%arg13 : memref<!tpu.dma_semaphore, #tpu.memory_space<semaphore_mem>>) src(%dma_wait3A_168 : memref<4000xi32, #tpu.memory_space<hbm>>) dst(%dma_wait3A_167 : memref<4000xi32, #tpu.memory_space<vmem>>)
      %dma_wait3A_169 = arith.constant 4000 : i32
      %dma_wait3A_170 = tpu.memref_slice %arg10[%dma_wait3A_169] : memref<8000xf32, #tpu.memory_space<vmem>> -> memref<4000xf32, #tpu.memory_space<vmem>>
      %dma_wait3A_171 = tpu.memref_slice %arg5[%add3A_162] : memref<3200000xf32, #tpu.memory_space<hbm>> -> memref<4000xf32, #tpu.memory_space<hbm>>
      %dma_wait3A_172 = arith.constant 4000 : i32
      %dma_wait3A_173 = tpu.memref_slice %arg10[%dma_wait3A_172] : memref<8000xf32, #tpu.memory_space<vmem>> -> memref<4000xf32, #tpu.memory_space<vmem>>
      %dma_wait3A_174 = tpu.memref_slice %arg5[%add3A_162] : memref<3200000xf32, #tpu.memory_space<hbm>> -> memref<4000xf32, #tpu.memory_space<hbm>>
      tpu.wait_dma2 semaphore(%arg15 : memref<!tpu.dma_semaphore, #tpu.memory_space<semaphore_mem>>) src(%dma_wait3A_174 : memref<4000xf32, #tpu.memory_space<hbm>>) dst(%dma_wait3A_173 : memref<4000xf32, #tpu.memory_space<vmem>>)
      %ge3A_175 = arith.constant 2 : i32
      %ge3A_176 = arith.cmpi sge, %add3A_152, %ge3A_175 : i32
      %convert_element_type3A_177 = arith.extui %ge3A_176 : i1 to i32
      %cond3A_178 = arith.constant 0 : i32
      %cond3A_179 = arith.cmpi ne, %convert_element_type3A_177, %cond3A_178 : i32
      scf.if %cond3A_179 {
        %sub3A = arith.constant 2 : i32
        %sub3A_192 = arith.subi %add3A_152, %sub3A : i32
        %mul3A_193 = arith.constant 4000 : i32
        %mul3A_194 = arith.muli %sub3A_192, %mul3A_193 : i32
        %add3A_195 = arith.addi %mul3A_2, %mul3A_194 : i32
        %dma_wait3A_196 = arith.constant 4000 : i32
        %dma_wait3A_197 = tpu.memref_slice %arg11[%dma_wait3A_196] : memref<8000xf32, #tpu.memory_space<vmem>> -> memref<4000xf32, #tpu.memory_space<vmem>>
        %dma_wait3A_198 = tpu.memref_slice %arg6[%add3A_195] : memref<3200000xf32, #tpu.memory_space<hbm>> -> memref<4000xf32, #tpu.memory_space<hbm>>
        %dma_wait3A_199 = tpu.memref_slice %arg6[%add3A_195] : memref<3200000xf32, #tpu.memory_space<hbm>> -> memref<4000xf32, #tpu.memory_space<hbm>>
        %dma_wait3A_200 = arith.constant 4000 : i32
        %dma_wait3A_201 = tpu.memref_slice %arg11[%dma_wait3A_200] : memref<8000xf32, #tpu.memory_space<vmem>> -> memref<4000xf32, #tpu.memory_space<vmem>>
        tpu.wait_dma2 semaphore(%arg17 : memref<!tpu.dma_semaphore, #tpu.memory_space<semaphore_mem>>) src(%dma_wait3A_201 : memref<4000xf32, #tpu.memory_space<vmem>>) dst(%dma_wait3A_199 : memref<4000xf32, #tpu.memory_space<hbm>>)
      } else {
      }
      %parallel_loop3A_180 = arith.constant 0 : i32
      %parallel_loop3A_181 = arith.constant 250 : i32
      %parallel_loop3A_182 = arith.constant 1 : i32
      scf.for %parallel_loop3A_192 = %parallel_loop3A_180 to %parallel_loop3A_181 step %parallel_loop3A_182  : i32 {
        %parallel_loop3A_193 = arith.constant 16 : i32
        %parallel_loop3A_194 = arith.muli %parallel_loop3A_192, %parallel_loop3A_193 : i32
        %parallel_loop3A_195 = arith.constant 4000 : i32
        %parallel_loop3A_196 = arith.addi %parallel_loop3A_195, %parallel_loop3A_194 : i32
        %parallel_loop3A_197 = arith.index_cast %parallel_loop3A_196 : i32 to index
        %parallel_loop3A_198 = tpu.vector_load %arg9[%parallel_loop3A_197] {strides = array<i32>} : memref<8000xi32, #tpu.memory_space<vmem>>, vector<16xi32>,
        %parallel_loop3A_199 = tpu.vector_load_idx %arg8[%parallel_loop3A_198] : memref<100352xf32, #tpu.memory_space<vmem>>[vector<16xi32>], vector<16xf32>,
        %parallel_loop3A_200 = arith.index_cast %parallel_loop3A_196 : i32 to index
        %parallel_loop3A_201 = tpu.vector_load %arg10[%parallel_loop3A_200] {strides = array<i32>} : memref<8000xf32, #tpu.memory_space<vmem>>, vector<16xf32>,
        %parallel_loop3A_202 = arith.mulf %parallel_loop3A_199, %parallel_loop3A_201 : vector<16xf32>
        %parallel_loop3A_203 = arith.index_cast %parallel_loop3A_196 : i32 to index
        %parallel_loop3A_204 = tpu.vector_load %arg11[%parallel_loop3A_203] {strides = array<i32>} : memref<8000xf32, #tpu.memory_space<vmem>>, vector<16xf32>,
        tpu.vector_store %arg11[%parallel_loop3A_203], %parallel_loop3A_202 {strides = array<i32>} : memref<8000xf32, #tpu.memory_space<vmem>>, vector<16xf32>,
      } {sc.loop_unroll_factor = 8 : i64, sc.parallel_access}
      %mul3A_183 = arith.constant 4000 : i32
      %mul3A_184 = arith.muli %add3A_152, %mul3A_183 : i32
      %add3A_185 = arith.addi %mul3A_2, %mul3A_184 : i32
      %dma_start3A_186 = arith.constant 4000 : i32
      %dma_start3A_187 = tpu.memref_slice %arg11[%dma_start3A_186] : memref<8000xf32, #tpu.memory_space<vmem>> -> memref<4000xf32, #tpu.memory_space<vmem>>
      %dma_start3A_188 = tpu.memref_slice %arg6[%add3A_185] : memref<3200000xf32, #tpu.memory_space<hbm>> -> memref<4000xf32, #tpu.memory_space<hbm>>
      %dma_start3A_189 = tpu.memref_slice %arg6[%add3A_185] : memref<3200000xf32, #tpu.memory_space<hbm>> -> memref<4000xf32, #tpu.memory_space<hbm>>
      %dma_start3A_190 = arith.constant 4000 : i32
      %dma_start3A_191 = tpu.memref_slice %arg11[%dma_start3A_190] : memref<8000xf32, #tpu.memory_space<vmem>> -> memref<4000xf32, #tpu.memory_space<vmem>>
      tpu.enqueue_dma source(%dma_start3A_191 : memref<4000xf32, #tpu.memory_space<vmem>>) target(%dma_start3A_189 : memref<4000xf32, #tpu.memory_space<hbm>>) target_semaphore(%arg17 : memref<!tpu.dma_semaphore, #tpu.memory_space<semaphore_mem>>)
    }
    %scan3A_20 = arith.constant 12 : i32
    %add3A_21 = arith.constant 88000 : i32
    %add3A_22 = arith.addi %mul3A_2, %add3A_21 : i32
    %dma_wait3A = arith.constant 0 : i32
    %dma_wait3A_23 = tpu.memref_slice %arg11[%dma_wait3A] : memref<8000xf32, #tpu.memory_space<vmem>> -> memref<4000xf32, #tpu.memory_space<vmem>>
    %dma_wait3A_24 = tpu.memref_slice %arg6[%add3A_22] : memref<3200000xf32, #tpu.memory_space<hbm>> -> memref<4000xf32, #tpu.memory_space<hbm>>
    %dma_wait3A_25 = tpu.memref_slice %arg6[%add3A_22] : memref<3200000xf32, #tpu.memory_space<hbm>> -> memref<4000xf32, #tpu.memory_space<hbm>>
    %dma_wait3A_26 = arith.constant 0 : i32
    %dma_wait3A_27 = tpu.memref_slice %arg11[%dma_wait3A_26] : memref<8000xf32, #tpu.memory_space<vmem>> -> memref<4000xf32, #tpu.memory_space<vmem>>
    tpu.wait_dma2 semaphore(%arg16 : memref<!tpu.dma_semaphore, #tpu.memory_space<semaphore_mem>>) src(%dma_wait3A_27 : memref<4000xf32, #tpu.memory_space<vmem>>) dst(%dma_wait3A_25 : memref<4000xf32, #tpu.memory_space<hbm>>)
    %add3A_28 = arith.constant 96000 : i32
    %add3A_29 = arith.addi %mul3A_2, %add3A_28 : i32
    %dma_wait3A_30 = arith.constant 0 : i32
    %dma_wait3A_31 = tpu.memref_slice %arg9[%dma_wait3A_30] : memref<8000xi32, #tpu.memory_space<vmem>> -> memref<4000xi32, #tpu.memory_space<vmem>>
    %dma_wait3A_32 = tpu.memref_slice %arg4[%add3A_29] : memref<3200000xi32, #tpu.memory_space<hbm>> -> memref<4000xi32, #tpu.memory_space<hbm>>
    %dma_wait3A_33 = arith.constant 0 : i32
    %dma_wait3A_34 = tpu.memref_slice %arg9[%dma_wait3A_33] : memref<8000xi32, #tpu.memory_space<vmem>> -> memref<4000xi32, #tpu.memory_space<vmem>>
    %dma_wait3A_35 = tpu.memref_slice %arg4[%add3A_29] : memref<3200000xi32, #tpu.memory_space<hbm>> -> memref<4000xi32, #tpu.memory_space<hbm>>
    tpu.wait_dma2 semaphore(%arg12 : memref<!tpu.dma_semaphore, #tpu.memory_space<semaphore_mem>>) src(%dma_wait3A_35 : memref<4000xi32, #tpu.memory_space<hbm>>) dst(%dma_wait3A_34 : memref<4000xi32, #tpu.memory_space<vmem>>)
    %dma_wait3A_36 = arith.constant 0 : i32
    %dma_wait3A_37 = tpu.memref_slice %arg10[%dma_wait3A_36] : memref<8000xf32, #tpu.memory_space<vmem>> -> memref<4000xf32, #tpu.memory_space<vmem>>
    %dma_wait3A_38 = tpu.memref_slice %arg5[%add3A_29] : memref<3200000xf32, #tpu.memory_space<hbm>> -> memref<4000xf32, #tpu.memory_space<hbm>>
    %dma_wait3A_39 = arith.constant 0 : i32
    %dma_wait3A_40 = tpu.memref_slice %arg10[%dma_wait3A_39] : memref<8000xf32, #tpu.memory_space<vmem>> -> memref<4000xf32, #tpu.memory_space<vmem>>
    %dma_wait3A_41 = tpu.memref_slice %arg5[%add3A_29] : memref<3200000xf32, #tpu.memory_space<hbm>> -> memref<4000xf32, #tpu.memory_space<hbm>>
    tpu.wait_dma2 semaphore(%arg14 : memref<!tpu.dma_semaphore, #tpu.memory_space<semaphore_mem>>) src(%dma_wait3A_41 : memref<4000xf32, #tpu.memory_space<hbm>>) dst(%dma_wait3A_40 : memref<4000xf32, #tpu.memory_space<vmem>>)
    %parallel_loop3A = arith.constant 0 : i32
    %parallel_loop3A_42 = arith.constant 250 : i32
    %parallel_loop3A_43 = arith.constant 1 : i32
    scf.for %parallel_loop3A_109 = %parallel_loop3A to %parallel_loop3A_42 step %parallel_loop3A_43  : i32 {
      %parallel_loop3A_110 = arith.constant 16 : i32
      %parallel_loop3A_111 = arith.muli %parallel_loop3A_109, %parallel_loop3A_110 : i32
      %parallel_loop3A_112 = arith.index_cast %parallel_loop3A_111 : i32 to index
      %parallel_loop3A_113 = tpu.vector_load %arg9[%parallel_loop3A_112] {strides = array<i32>} : memref<8000xi32, #tpu.memory_space<vmem>>, vector<16xi32>,
      %parallel_loop3A_114 = tpu.vector_load_idx %arg8[%parallel_loop3A_113] : memref<100352xf32, #tpu.memory_space<vmem>>[vector<16xi32>], vector<16xf32>,
      %parallel_loop3A_115 = arith.index_cast %parallel_loop3A_111 : i32 to index
      %parallel_loop3A_116 = tpu.vector_load %arg10[%parallel_loop3A_115] {strides = array<i32>} : memref<8000xf32, #tpu.memory_space<vmem>>, vector<16xf32>,
      %parallel_loop3A_117 = arith.mulf %parallel_loop3A_114, %parallel_loop3A_116 : vector<16xf32>
      %parallel_loop3A_118 = arith.index_cast %parallel_loop3A_111 : i32 to index
      %parallel_loop3A_119 = tpu.vector_load %arg11[%parallel_loop3A_118] {strides = array<i32>} : memref<8000xf32, #tpu.memory_space<vmem>>, vector<16xf32>,
      tpu.vector_store %arg11[%parallel_loop3A_118], %parallel_loop3A_117 {strides = array<i32>} : memref<8000xf32, #tpu.memory_space<vmem>>, vector<16xf32>,
    } {sc.loop_unroll_factor = 8 : i64, sc.parallel_access}
    %add3A_44 = arith.constant 96000 : i32
    %add3A_45 = arith.addi %mul3A_2, %add3A_44 : i32
    %dma_start3A_46 = arith.constant 0 : i32
    %dma_start3A_47 = tpu.memref_slice %arg11[%dma_start3A_46] : memref<8000xf32, #tpu.memory_space<vmem>> -> memref<4000xf32, #tpu.memory_space<vmem>>
    %dma_start3A_48 = tpu.memref_slice %arg6[%add3A_45] : memref<3200000xf32, #tpu.memory_space<hbm>> -> memref<4000xf32, #tpu.memory_space<hbm>>
    %dma_start3A_49 = tpu.memref_slice %arg6[%add3A_45] : memref<3200000xf32, #tpu.memory_space<hbm>> -> memref<4000xf32, #tpu.memory_space<hbm>>
    %dma_start3A_50 = arith.constant 0 : i32
    %dma_start3A_51 = tpu.memref_slice %arg11[%dma_start3A_50] : memref<8000xf32, #tpu.memory_space<vmem>> -> memref<4000xf32, #tpu.memory_space<vmem>>
    tpu.enqueue_dma source(%dma_start3A_51 : memref<4000xf32, #tpu.memory_space<vmem>>) target(%dma_start3A_49 : memref<4000xf32, #tpu.memory_space<hbm>>) target_semaphore(%arg16 : memref<!tpu.dma_semaphore, #tpu.memory_space<semaphore_mem>>)
    %add3A_52 = arith.constant 92000 : i32
    %add3A_53 = arith.addi %mul3A_2, %add3A_52 : i32
    %dma_wait3A_54 = arith.constant 4000 : i32
    %dma_wait3A_55 = tpu.memref_slice %arg11[%dma_wait3A_54] : memref<8000xf32, #tpu.memory_space<vmem>> -> memref<4000xf32, #tpu.memory_space<vmem>>
    %dma_wait3A_56 = tpu.memref_slice %arg6[%add3A_53] : memref<3200000xf32, #tpu.memory_space<hbm>> -> memref<4000xf32, #tpu.memory_space<hbm>>
    %dma_wait3A_57 = tpu.memref_slice %arg6[%add3A_53] : memref<3200000xf32, #tpu.memory_space<hbm>> -> memref<4000xf32, #tpu.memory_space<hbm>>
    %dma_wait3A_58 = arith.constant 4000 : i32
    %dma_wait3A_59 = tpu.memref_slice %arg11[%dma_wait3A_58] : memref<8000xf32, #tpu.memory_space<vmem>> -> memref<4000xf32, #tpu.memory_space<vmem>>
    tpu.wait_dma2 semaphore(%arg17 : memref<!tpu.dma_semaphore, #tpu.memory_space<semaphore_mem>>) src(%dma_wait3A_59 : memref<4000xf32, #tpu.memory_space<vmem>>) dst(%dma_wait3A_57 : memref<4000xf32, #tpu.memory_space<hbm>>)
    %add3A_60 = arith.constant 96000 : i32
    %add3A_61 = arith.addi %mul3A_2, %add3A_60 : i32
    %dma_wait3A_62 = arith.constant 0 : i32
    %dma_wait3A_63 = tpu.memref_slice %arg11[%dma_wait3A_62] : memref<8000xf32, #tpu.memory_space<vmem>> -> memref<4000xf32, #tpu.memory_space<vmem>>
    %dma_wait3A_64 = tpu.memref_slice %arg6[%add3A_61] : memref<3200000xf32, #tpu.memory_space<hbm>> -> memref<4000xf32, #tpu.memory_space<hbm>>
    %dma_wait3A_65 = tpu.memref_slice %arg6[%add3A_61] : memref<3200000xf32, #tpu.memory_space<hbm>> -> memref<4000xf32, #tpu.memory_space<hbm>>
    %dma_wait3A_66 = arith.constant 0 : i32
    %dma_wait3A_67 = tpu.memref_slice %arg11[%dma_wait3A_66] : memref<8000xf32, #tpu.memory_space<vmem>> -> memref<4000xf32, #tpu.memory_space<vmem>>
    tpu.wait_dma2 semaphore(%arg16 : memref<!tpu.dma_semaphore, #tpu.memory_space<semaphore_mem>>) src(%dma_wait3A_67 : memref<4000xf32, #tpu.memory_space<vmem>>) dst(%dma_wait3A_65 : memref<4000xf32, #tpu.memory_space<hbm>>)
    %broadcast_in_dim3A = arith.constant 0.000000e+00 : f32
    %broadcast_in_dim3A_68 = vector.broadcast %broadcast_in_dim3A : f32 to vector<16xf32>
    %parallel_loop3A_69 = arith.constant 0 : i32
    %parallel_loop3A_70 = arith.constant 6272 : i32
    %parallel_loop3A_71 = arith.constant 1 : i32
    scf.for %parallel_loop3A_109 = %parallel_loop3A_69 to %parallel_loop3A_70 step %parallel_loop3A_71  : i32 {
      %parallel_loop3A_110 = arith.constant 16 : i32
      %parallel_loop3A_111 = arith.muli %parallel_loop3A_109, %parallel_loop3A_110 : i32
      %parallel_loop3A_112 = arith.index_cast %parallel_loop3A_111 : i32 to index
      %parallel_loop3A_113 = tpu.vector_load %arg8[%parallel_loop3A_112] {strides = array<i32>} : memref<100352xf32, #tpu.memory_space<vmem>>, vector<16xf32>,
      tpu.vector_store %arg8[%parallel_loop3A_112], %broadcast_in_dim3A_68 {strides = array<i32>} : memref<100352xf32, #tpu.memory_space<vmem>>, vector<16xf32>,
    } {sc.loop_unroll_factor = 8 : i64, sc.parallel_access}
    %add3A_72 = arith.constant 0 : i32
    %add3A_73 = arith.addi %mul3A_2, %add3A_72 : i32
    %dma_start3A_74 = arith.constant 0 : i32
    %dma_start3A_75 = tpu.memref_slice %arg9[%dma_start3A_74] : memref<8000xi32, #tpu.memory_space<vmem>> -> memref<4000xi32, #tpu.memory_space<vmem>>
    %dma_start3A_76 = tpu.memref_slice %arg3[%add3A_73] : memref<3200000xi32, #tpu.memory_space<hbm>> -> memref<4000xi32, #tpu.memory_space<hbm>>
    %dma_start3A_77 = arith.constant 0 : i32
    %dma_start3A_78 = tpu.memref_slice %arg9[%dma_start3A_77] : memref<8000xi32, #tpu.memory_space<vmem>> -> memref<4000xi32, #tpu.memory_space<vmem>>
    %dma_start3A_79 = tpu.memref_slice %arg3[%add3A_73] : memref<3200000xi32, #tpu.memory_space<hbm>> -> memref<4000xi32, #tpu.memory_space<hbm>>
    tpu.enqueue_dma source(%dma_start3A_79 : memref<4000xi32, #tpu.memory_space<hbm>>) target(%dma_start3A_78 : memref<4000xi32, #tpu.memory_space<vmem>>) target_semaphore(%arg12 : memref<!tpu.dma_semaphore, #tpu.memory_space<semaphore_mem>>)
    %dma_start3A_80 = arith.constant 0 : i32
    %dma_start3A_81 = tpu.memref_slice %arg10[%dma_start3A_80] : memref<8000xf32, #tpu.memory_space<vmem>> -> memref<4000xf32, #tpu.memory_space<vmem>>
    %dma_start3A_82 = tpu.memref_slice %arg6[%add3A_73] : memref<3200000xf32, #tpu.memory_space<hbm>> -> memref<4000xf32, #tpu.memory_space<hbm>>
    %dma_start3A_83 = arith.constant 0 : i32
    %dma_start3A_84 = tpu.memref_slice %arg10[%dma_start3A_83] : memref<8000xf32, #tpu.memory_space<vmem>> -> memref<4000xf32, #tpu.memory_space<vmem>>
    %dma_start3A_85 = tpu.memref_slice %arg6[%add3A_73] : memref<3200000xf32, #tpu.memory_space<hbm>> -> memref<4000xf32, #tpu.memory_space<hbm>>
    tpu.enqueue_dma source(%dma_start3A_85 : memref<4000xf32, #tpu.memory_space<hbm>>) target(%dma_start3A_84 : memref<4000xf32, #tpu.memory_space<vmem>>) target_semaphore(%arg14 : memref<!tpu.dma_semaphore, #tpu.memory_space<semaphore_mem>>)
    %scan3A_86 = arith.constant 0 : i32
    %scan3A_87 = arith.constant 0 : i32
    %scan3A_88 = arith.constant 12 : i32
    %scan3A_89 = arith.addi %scan3A_87, %scan3A_88 : i32
    %scan3A_90 = arith.constant 1 : i32
    scf.for %scan3A_109 = %scan3A_87 to %scan3A_89 step %scan3A_90  : i32 {
      %mul3A_110 = arith.constant 2 : i32
      %mul3A_111 = arith.muli %scan3A_109, %mul3A_110 : i32
      %add3A_112 = arith.constant 0 : i32
      %add3A_113 = arith.addi %mul3A_111, %add3A_112 : i32
      %add3A_114 = arith.constant 1 : i32
      %add3A_115 = arith.addi %add3A_113, %add3A_114 : i32
      %lt3A = arith.constant 25 : i32
      %lt3A_116 = arith.cmpi slt, %add3A_115, %lt3A : i32
      %convert_element_type3A = arith.extui %lt3A_116 : i1 to i32
      %cond3A = arith.constant 0 : i32
      %cond3A_117 = arith.cmpi ne, %convert_element_type3A, %cond3A : i32
      scf.if %cond3A_117 {
        %add3A_165 = arith.constant 1 : i32
        %add3A_166 = arith.addi %add3A_113, %add3A_165 : i32
        %mul3A_167 = arith.constant 4000 : i32
        %mul3A_168 = arith.muli %add3A_166, %mul3A_167 : i32
        %add3A_169 = arith.addi %mul3A_2, %mul3A_168 : i32
        %dma_start3A_170 = arith.constant 4000 : i32
        %dma_start3A_171 = tpu.memref_slice %arg9[%dma_start3A_170] : memref<8000xi32, #tpu.memory_space<vmem>> -> memref<4000xi32, #tpu.memory_space<vmem>>
        %dma_start3A_172 = tpu.memref_slice %arg3[%add3A_169] : memref<3200000xi32, #tpu.memory_space<hbm>> -> memref<4000xi32, #tpu.memory_space<hbm>>
        %dma_start3A_173 = arith.constant 4000 : i32
        %dma_start3A_174 = tpu.memref_slice %arg9[%dma_start3A_173] : memref<8000xi32, #tpu.memory_space<vmem>> -> memref<4000xi32, #tpu.memory_space<vmem>>
        %dma_start3A_175 = tpu.memref_slice %arg3[%add3A_169] : memref<3200000xi32, #tpu.memory_space<hbm>> -> memref<4000xi32, #tpu.memory_space<hbm>>
        tpu.enqueue_dma source(%dma_start3A_175 : memref<4000xi32, #tpu.memory_space<hbm>>) target(%dma_start3A_174 : memref<4000xi32, #tpu.memory_space<vmem>>) target_semaphore(%arg13 : memref<!tpu.dma_semaphore, #tpu.memory_space<semaphore_mem>>)
        %dma_start3A_176 = arith.constant 4000 : i32
        %dma_start3A_177 = tpu.memref_slice %arg10[%dma_start3A_176] : memref<8000xf32, #tpu.memory_space<vmem>> -> memref<4000xf32, #tpu.memory_space<vmem>>
        %dma_start3A_178 = tpu.memref_slice %arg6[%add3A_169] : memref<3200000xf32, #tpu.memory_space<hbm>> -> memref<4000xf32, #tpu.memory_space<hbm>>
        %dma_start3A_179 = arith.constant 4000 : i32
        %dma_start3A_180 = tpu.memref_slice %arg10[%dma_start3A_179] : memref<8000xf32, #tpu.memory_space<vmem>> -> memref<4000xf32, #tpu.memory_space<vmem>>
        %dma_start3A_181 = tpu.memref_slice %arg6[%add3A_169] : memref<3200000xf32, #tpu.memory_space<hbm>> -> memref<4000xf32, #tpu.memory_space<hbm>>
        tpu.enqueue_dma source(%dma_start3A_181 : memref<4000xf32, #tpu.memory_space<hbm>>) target(%dma_start3A_180 : memref<4000xf32, #tpu.memory_space<vmem>>) target_semaphore(%arg15 : memref<!tpu.dma_semaphore, #tpu.memory_space<semaphore_mem>>)
      } else {
      }
      %mul3A_118 = arith.constant 4000 : i32
      %mul3A_119 = arith.muli %add3A_113, %mul3A_118 : i32
      %add3A_120 = arith.addi %mul3A_2, %mul3A_119 : i32
      %dma_wait3A_121 = arith.constant 0 : i32
      %dma_wait3A_122 = tpu.memref_slice %arg9[%dma_wait3A_121] : memref<8000xi32, #tpu.memory_space<vmem>> -> memref<4000xi32, #tpu.memory_space<vmem>>
      %dma_wait3A_123 = tpu.memref_slice %arg3[%add3A_120] : memref<3200000xi32, #tpu.memory_space<hbm>> -> memref<4000xi32, #tpu.memory_space<hbm>>
      %dma_wait3A_124 = arith.constant 0 : i32
      %dma_wait3A_125 = tpu.memref_slice %arg9[%dma_wait3A_124] : memref<8000xi32, #tpu.memory_space<vmem>> -> memref<4000xi32, #tpu.memory_space<vmem>>
      %dma_wait3A_126 = tpu.memref_slice %arg3[%add3A_120] : memref<3200000xi32, #tpu.memory_space<hbm>> -> memref<4000xi32, #tpu.memory_space<hbm>>
      tpu.wait_dma2 semaphore(%arg12 : memref<!tpu.dma_semaphore, #tpu.memory_space<semaphore_mem>>) src(%dma_wait3A_126 : memref<4000xi32, #tpu.memory_space<hbm>>) dst(%dma_wait3A_125 : memref<4000xi32, #tpu.memory_space<vmem>>)
      %dma_wait3A_127 = arith.constant 0 : i32
      %dma_wait3A_128 = tpu.memref_slice %arg10[%dma_wait3A_127] : memref<8000xf32, #tpu.memory_space<vmem>> -> memref<4000xf32, #tpu.memory_space<vmem>>
      %dma_wait3A_129 = tpu.memref_slice %arg6[%add3A_120] : memref<3200000xf32, #tpu.memory_space<hbm>> -> memref<4000xf32, #tpu.memory_space<hbm>>
      %dma_wait3A_130 = arith.constant 0 : i32
      %dma_wait3A_131 = tpu.memref_slice %arg10[%dma_wait3A_130] : memref<8000xf32, #tpu.memory_space<vmem>> -> memref<4000xf32, #tpu.memory_space<vmem>>
      %dma_wait3A_132 = tpu.memref_slice %arg6[%add3A_120] : memref<3200000xf32, #tpu.memory_space<hbm>> -> memref<4000xf32, #tpu.memory_space<hbm>>
      tpu.wait_dma2 semaphore(%arg14 : memref<!tpu.dma_semaphore, #tpu.memory_space<semaphore_mem>>) src(%dma_wait3A_132 : memref<4000xf32, #tpu.memory_space<hbm>>) dst(%dma_wait3A_131 : memref<4000xf32, #tpu.memory_space<vmem>>)
      %parallel_loop3A_133 = arith.constant 0 : i32
      %parallel_loop3A_134 = arith.constant 250 : i32
      %parallel_loop3A_135 = arith.constant 1 : i32
      scf.for %parallel_loop3A_165 = %parallel_loop3A_133 to %parallel_loop3A_134 step %parallel_loop3A_135  : i32 {
        %parallel_loop3A_166 = arith.constant 16 : i32
        %parallel_loop3A_167 = arith.muli %parallel_loop3A_165, %parallel_loop3A_166 : i32
        %parallel_loop3A_168 = arith.constant 0 : i32
        %parallel_loop3A_169 = arith.addi %parallel_loop3A_168, %parallel_loop3A_167 : i32
        %parallel_loop3A_170 = arith.index_cast %parallel_loop3A_169 : i32 to index
        %parallel_loop3A_171 = tpu.vector_load %arg9[%parallel_loop3A_170] {strides = array<i32>} : memref<8000xi32, #tpu.memory_space<vmem>>, vector<16xi32>,
        %parallel_loop3A_172 = arith.index_cast %parallel_loop3A_169 : i32 to index
        %parallel_loop3A_173 = tpu.vector_load %arg10[%parallel_loop3A_172] {strides = array<i32>} : memref<8000xf32, #tpu.memory_space<vmem>>, vector<16xf32>,
        tpu.vector_store_idx %arg8[%parallel_loop3A_171], %parallel_loop3A_173 {add = true} : memref<100352xf32, #tpu.memory_space<vmem>>[vector<16xi32>], vector<16xf32>,
      } {sc.loop_unroll_factor = 8 : i64, sc.parallel_access}
      %mul3A_136 = arith.constant 2 : i32
      %mul3A_137 = arith.muli %scan3A_109, %mul3A_136 : i32
      %add3A_138 = arith.constant 1 : i32
      %add3A_139 = arith.addi %mul3A_137, %add3A_138 : i32
      %add3A_140 = arith.constant 1 : i32
      %add3A_141 = arith.addi %add3A_139, %add3A_140 : i32
      %lt3A_142 = arith.constant 25 : i32
      %lt3A_143 = arith.cmpi slt, %add3A_141, %lt3A_142 : i32
      %convert_element_type3A_144 = arith.extui %lt3A_143 : i1 to i32
      %cond3A_145 = arith.constant 0 : i32
      %cond3A_146 = arith.cmpi ne, %convert_element_type3A_144, %cond3A_145 : i32
      scf.if %cond3A_146 {
        %add3A_165 = arith.constant 1 : i32
        %add3A_166 = arith.addi %add3A_139, %add3A_165 : i32
        %mul3A_167 = arith.constant 4000 : i32
        %mul3A_168 = arith.muli %add3A_166, %mul3A_167 : i32
        %add3A_169 = arith.addi %mul3A_2, %mul3A_168 : i32
        %dma_start3A_170 = arith.constant 0 : i32
        %dma_start3A_171 = tpu.memref_slice %arg9[%dma_start3A_170] : memref<8000xi32, #tpu.memory_space<vmem>> -> memref<4000xi32, #tpu.memory_space<vmem>>
        %dma_start3A_172 = tpu.memref_slice %arg3[%add3A_169] : memref<3200000xi32, #tpu.memory_space<hbm>> -> memref<4000xi32, #tpu.memory_space<hbm>>
        %dma_start3A_173 = arith.constant 0 : i32
        %dma_start3A_174 = tpu.memref_slice %arg9[%dma_start3A_173] : memref<8000xi32, #tpu.memory_space<vmem>> -> memref<4000xi32, #tpu.memory_space<vmem>>
        %dma_start3A_175 = tpu.memref_slice %arg3[%add3A_169] : memref<3200000xi32, #tpu.memory_space<hbm>> -> memref<4000xi32, #tpu.memory_space<hbm>>
        tpu.enqueue_dma source(%dma_start3A_175 : memref<4000xi32, #tpu.memory_space<hbm>>) target(%dma_start3A_174 : memref<4000xi32, #tpu.memory_space<vmem>>) target_semaphore(%arg12 : memref<!tpu.dma_semaphore, #tpu.memory_space<semaphore_mem>>)
        %dma_start3A_176 = arith.constant 0 : i32
        %dma_start3A_177 = tpu.memref_slice %arg10[%dma_start3A_176] : memref<8000xf32, #tpu.memory_space<vmem>> -> memref<4000xf32, #tpu.memory_space<vmem>>
        %dma_start3A_178 = tpu.memref_slice %arg6[%add3A_169] : memref<3200000xf32, #tpu.memory_space<hbm>> -> memref<4000xf32, #tpu.memory_space<hbm>>
        %dma_start3A_179 = arith.constant 0 : i32
        %dma_start3A_180 = tpu.memref_slice %arg10[%dma_start3A_179] : memref<8000xf32, #tpu.memory_space<vmem>> -> memref<4000xf32, #tpu.memory_space<vmem>>
        %dma_start3A_181 = tpu.memref_slice %arg6[%add3A_169] : memref<3200000xf32, #tpu.memory_space<hbm>> -> memref<4000xf32, #tpu.memory_space<hbm>>
        tpu.enqueue_dma source(%dma_start3A_181 : memref<4000xf32, #tpu.memory_space<hbm>>) target(%dma_start3A_180 : memref<4000xf32, #tpu.memory_space<vmem>>) target_semaphore(%arg14 : memref<!tpu.dma_semaphore, #tpu.memory_space<semaphore_mem>>)
      } else {
      }
      %mul3A_147 = arith.constant 4000 : i32
      %mul3A_148 = arith.muli %add3A_139, %mul3A_147 : i32
      %add3A_149 = arith.addi %mul3A_2, %mul3A_148 : i32
      %dma_wait3A_150 = arith.constant 4000 : i32
      %dma_wait3A_151 = tpu.memref_slice %arg9[%dma_wait3A_150] : memref<8000xi32, #tpu.memory_space<vmem>> -> memref<4000xi32, #tpu.memory_space<vmem>>
      %dma_wait3A_152 = tpu.memref_slice %arg3[%add3A_149] : memref<3200000xi32, #tpu.memory_space<hbm>> -> memref<4000xi32, #tpu.memory_space<hbm>>
      %dma_wait3A_153 = arith.constant 4000 : i32
      %dma_wait3A_154 = tpu.memref_slice %arg9[%dma_wait3A_153] : memref<8000xi32, #tpu.memory_space<vmem>> -> memref<4000xi32, #tpu.memory_space<vmem>>
      %dma_wait3A_155 = tpu.memref_slice %arg3[%add3A_149] : memref<3200000xi32, #tpu.memory_space<hbm>> -> memref<4000xi32, #tpu.memory_space<hbm>>
      tpu.wait_dma2 semaphore(%arg13 : memref<!tpu.dma_semaphore, #tpu.memory_space<semaphore_mem>>) src(%dma_wait3A_155 : memref<4000xi32, #tpu.memory_space<hbm>>) dst(%dma_wait3A_154 : memref<4000xi32, #tpu.memory_space<vmem>>)
      %dma_wait3A_156 = arith.constant 4000 : i32
      %dma_wait3A_157 = tpu.memref_slice %arg10[%dma_wait3A_156] : memref<8000xf32, #tpu.memory_space<vmem>> -> memref<4000xf32, #tpu.memory_space<vmem>>
      %dma_wait3A_158 = tpu.memref_slice %arg6[%add3A_149] : memref<3200000xf32, #tpu.memory_space<hbm>> -> memref<4000xf32, #tpu.memory_space<hbm>>
      %dma_wait3A_159 = arith.constant 4000 : i32
      %dma_wait3A_160 = tpu.memref_slice %arg10[%dma_wait3A_159] : memref<8000xf32, #tpu.memory_space<vmem>> -> memref<4000xf32, #tpu.memory_space<vmem>>
      %dma_wait3A_161 = tpu.memref_slice %arg6[%add3A_149] : memref<3200000xf32, #tpu.memory_space<hbm>> -> memref<4000xf32, #tpu.memory_space<hbm>>
      tpu.wait_dma2 semaphore(%arg15 : memref<!tpu.dma_semaphore, #tpu.memory_space<semaphore_mem>>) src(%dma_wait3A_161 : memref<4000xf32, #tpu.memory_space<hbm>>) dst(%dma_wait3A_160 : memref<4000xf32, #tpu.memory_space<vmem>>)
      %parallel_loop3A_162 = arith.constant 0 : i32
      %parallel_loop3A_163 = arith.constant 250 : i32
      %parallel_loop3A_164 = arith.constant 1 : i32
      scf.for %parallel_loop3A_165 = %parallel_loop3A_162 to %parallel_loop3A_163 step %parallel_loop3A_164  : i32 {
        %parallel_loop3A_166 = arith.constant 16 : i32
        %parallel_loop3A_167 = arith.muli %parallel_loop3A_165, %parallel_loop3A_166 : i32
        %parallel_loop3A_168 = arith.constant 4000 : i32
        %parallel_loop3A_169 = arith.addi %parallel_loop3A_168, %parallel_loop3A_167 : i32
        %parallel_loop3A_170 = arith.index_cast %parallel_loop3A_169 : i32 to index
        %parallel_loop3A_171 = tpu.vector_load %arg9[%parallel_loop3A_170] {strides = array<i32>} : memref<8000xi32, #tpu.memory_space<vmem>>, vector<16xi32>,
        %parallel_loop3A_172 = arith.index_cast %parallel_loop3A_169 : i32 to index
        %parallel_loop3A_173 = tpu.vector_load %arg10[%parallel_loop3A_172] {strides = array<i32>} : memref<8000xf32, #tpu.memory_space<vmem>>, vector<16xf32>,
        tpu.vector_store_idx %arg8[%parallel_loop3A_171], %parallel_loop3A_173 {add = true} : memref<100352xf32, #tpu.memory_space<vmem>>[vector<16xi32>], vector<16xf32>,
      } {sc.loop_unroll_factor = 8 : i64, sc.parallel_access}
    }
    %scan3A_91 = arith.constant 12 : i32
    %add3A_92 = arith.constant 96000 : i32
    %add3A_93 = arith.addi %mul3A_2, %add3A_92 : i32
    %dma_wait3A_94 = arith.constant 0 : i32
    %dma_wait3A_95 = tpu.memref_slice %arg9[%dma_wait3A_94] : memref<8000xi32, #tpu.memory_space<vmem>> -> memref<4000xi32, #tpu.memory_space<vmem>>
    %dma_wait3A_96 = tpu.memref_slice %arg3[%add3A_93] : memref<3200000xi32, #tpu.memory_space<hbm>> -> memref<4000xi32, #tpu.memory_space<hbm>>
    %dma_wait3A_97 = arith.constant 0 : i32
    %dma_wait3A_98 = tpu.memref_slice %arg9[%dma_wait3A_97] : memref<8000xi32, #tpu.memory_space<vmem>> -> memref<4000xi32, #tpu.memory_space<vmem>>
    %dma_wait3A_99 = tpu.memref_slice %arg3[%add3A_93] : memref<3200000xi32, #tpu.memory_space<hbm>> -> memref<4000xi32, #tpu.memory_space<hbm>>
    tpu.wait_dma2 semaphore(%arg12 : memref<!tpu.dma_semaphore, #tpu.memory_space<semaphore_mem>>) src(%dma_wait3A_99 : memref<4000xi32, #tpu.memory_space<hbm>>) dst(%dma_wait3A_98 : memref<4000xi32, #tpu.memory_space<vmem>>)
    %dma_wait3A_100 = arith.constant 0 : i32
    %dma_wait3A_101 = tpu.memref_slice %arg10[%dma_wait3A_100] : memref<8000xf32, #tpu.memory_space<vmem>> -> memref<4000xf32, #tpu.memory_space<vmem>>
    %dma_wait3A_102 = tpu.memref_slice %arg6[%add3A_93] : memref<3200000xf32, #tpu.memory_space<hbm>> -> memref<4000xf32, #tpu.memory_space<hbm>>
    %dma_wait3A_103 = arith.constant 0 : i32
    %dma_wait3A_104 = tpu.memref_slice %arg10[%dma_wait3A_103] : memref<8000xf32, #tpu.memory_space<vmem>> -> memref<4000xf32, #tpu.memory_space<vmem>>
    %dma_wait3A_105 = tpu.memref_slice %arg6[%add3A_93] : memref<3200000xf32, #tpu.memory_space<hbm>> -> memref<4000xf32, #tpu.memory_space<hbm>>
    tpu.wait_dma2 semaphore(%arg14 : memref<!tpu.dma_semaphore, #tpu.memory_space<semaphore_mem>>) src(%dma_wait3A_105 : memref<4000xf32, #tpu.memory_space<hbm>>) dst(%dma_wait3A_104 : memref<4000xf32, #tpu.memory_space<vmem>>)
    %parallel_loop3A_106 = arith.constant 0 : i32
    %parallel_loop3A_107 = arith.constant 250 : i32
    %parallel_loop3A_108 = arith.constant 1 : i32
    scf.for %parallel_loop3A_109 = %parallel_loop3A_106 to %parallel_loop3A_107 step %parallel_loop3A_108  : i32 {
      %parallel_loop3A_110 = arith.constant 16 : i32
      %parallel_loop3A_111 = arith.muli %parallel_loop3A_109, %parallel_loop3A_110 : i32
      %parallel_loop3A_112 = arith.index_cast %parallel_loop3A_111 : i32 to index
      %parallel_loop3A_113 = tpu.vector_load %arg9[%parallel_loop3A_112] {strides = array<i32>} : memref<8000xi32, #tpu.memory_space<vmem>>, vector<16xi32>,
      %parallel_loop3A_114 = arith.index_cast %parallel_loop3A_111 : i32 to index
      %parallel_loop3A_115 = tpu.vector_load %arg10[%parallel_loop3A_114] {strides = array<i32>} : memref<8000xf32, #tpu.memory_space<vmem>>, vector<16xf32>,
      tpu.vector_store_idx %arg8[%parallel_loop3A_113], %parallel_loop3A_115 {add = true} : memref<100352xf32, #tpu.memory_space<vmem>>[vector<16xi32>], vector<16xf32>,
    } {sc.loop_unroll_factor = 8 : i64, sc.parallel_access}
    "tpu.region"() ({
      %run_scoped3A = tpu.sem_alloc : memref<!tpu.dma_semaphore, #tpu.memory_space<semaphore_mem>>
      %dma_start3A_109 = arith.constant 0 : i32
      %dma_start3A_110 = tpu.memref_slice %arg7[%add3A, %dma_start3A_109] : memref<32x100352xf32, #tpu.memory_space<hbm>> -> memref<1x100352xf32, #tpu.memory_space<hbm>>
      %dma_start3A_111 = tpu.memref_squeeze %dma_start3A_110 : memref<1x100352xf32, #tpu.memory_space<hbm>> -> memref<100352xf32, #tpu.memory_space<hbm>>
      %dma_start3A_112 = arith.constant 0 : i32
      %dma_start3A_113 = tpu.memref_slice %arg7[%add3A, %dma_start3A_112] : memref<32x100352xf32, #tpu.memory_space<hbm>> -> memref<1x100352xf32, #tpu.memory_space<hbm>>
      %dma_start3A_114 = tpu.memref_squeeze %dma_start3A_113 : memref<1x100352xf32, #tpu.memory_space<hbm>> -> memref<100352xf32, #tpu.memory_space<hbm>>
      tpu.enqueue_dma source(%arg8 : memref<100352xf32, #tpu.memory_space<vmem>>) target(%dma_start3A_114 : memref<100352xf32, #tpu.memory_space<hbm>>) target_semaphore(%run_scoped3A : memref<!tpu.dma_semaphore, #tpu.memory_space<semaphore_mem>>)
      %dma_wait3A_115 = arith.constant 0 : i32
      %dma_wait3A_116 = tpu.memref_slice %arg7[%add3A, %dma_wait3A_115] : memref<32x100352xf32, #tpu.memory_space<hbm>> -> memref<1x100352xf32, #tpu.memory_space<hbm>>
      %dma_wait3A_117 = tpu.memref_squeeze %dma_wait3A_116 : memref<1x100352xf32, #tpu.memory_space<hbm>> -> memref<100352xf32, #tpu.memory_space<hbm>>
      %dma_wait3A_118 = arith.constant 0 : i32
      %dma_wait3A_119 = tpu.memref_slice %arg7[%add3A, %dma_wait3A_118] : memref<32x100352xf32, #tpu.memory_space<hbm>> -> memref<1x100352xf32, #tpu.memory_space<hbm>>
      %dma_wait3A_120 = tpu.memref_squeeze %dma_wait3A_119 : memref<1x100352xf32, #tpu.memory_space<hbm>> -> memref<100352xf32, #tpu.memory_space<hbm>>
      tpu.wait_dma2 semaphore(%run_scoped3A : memref<!tpu.dma_semaphore, #tpu.memory_space<semaphore_mem>>) src(%arg8 : memref<100352xf32, #tpu.memory_space<vmem>>) dst(%dma_wait3A_120 : memref<100352xf32, #tpu.memory_space<hbm>>)
      tpu.yield
    }) : () -> ()
    return
  }
}

#map = affine_map<(d0, d1) -> (0)>
#map1 = affine_map<(d0, d1) -> (0, 0)>
module attributes {stable_mosaic.version = 14 : i64} {
  func.func @_k2_body(%arg0: i32, %arg1: i32, %arg2: memref<100352xf32, #tpu.memory_space<hbm>>, %arg3: memref<3200000xi32, #tpu.memory_space<hbm>>, %arg4: memref<3200000xi32, #tpu.memory_space<hbm>>, %arg5: memref<3200000xf32, #tpu.memory_space<hbm>>, %arg6: memref<32x100352xf32, #tpu.memory_space<hbm>>, %arg7: memref<100352xf32, #tpu.memory_space<vmem>>, %arg8: memref<8000xi32, #tpu.memory_space<vmem>>, %arg9: memref<8000xf32, #tpu.memory_space<vmem>>, %arg10: memref<8000xf32, #tpu.memory_space<vmem>>, %arg11: memref<!tpu.dma_semaphore, #tpu.memory_space<semaphore_mem>>, %arg12: memref<!tpu.dma_semaphore, #tpu.memory_space<semaphore_mem>>, %arg13: memref<!tpu.dma_semaphore, #tpu.memory_space<semaphore_mem>>, %arg14: memref<!tpu.dma_semaphore, #tpu.memory_space<semaphore_mem>>, %arg15: memref<!tpu.dma_semaphore, #tpu.memory_space<semaphore_mem>>, %arg16: memref<!tpu.dma_semaphore, #tpu.memory_space<semaphore_mem>>) attributes {dimension_semantics = [#tpu.dimension_semantics<core_parallel>, #tpu.dimension_semantics<subcore_parallel>], iteration_bounds = array<i64: 2, 16>, scalar_prefetch = 0 : i64, scratch_operands = 10 : i64, tpu.core_type = #tpu.core_type<sc_vector_subcore>, window_params = [{transform_indices = #map}, {transform_indices = #map}, {transform_indices = #map}, {transform_indices = #map}, {transform_indices = #map1}]} {
    %mul3A = arith.constant 2 : i32
    %mul3A_0 = arith.muli %arg1, %mul3A : i32
    %add3A = arith.addi %mul3A_0, %arg0 : i32
    %mul3A_1 = arith.constant 100000 : i32
    %mul3A_2 = arith.muli %add3A, %mul3A_1 : i32
    "tpu.region"() ({
      %run_scoped3A = tpu.sem_alloc : memref<!tpu.dma_semaphore, #tpu.memory_space<semaphore_mem>>
      tpu.enqueue_dma source(%arg2 : memref<100352xf32, #tpu.memory_space<hbm>>) target(%arg7 : memref<100352xf32, #tpu.memory_space<vmem>>) target_semaphore(%run_scoped3A : memref<!tpu.dma_semaphore, #tpu.memory_space<semaphore_mem>>)
      tpu.wait_dma2 semaphore(%run_scoped3A : memref<!tpu.dma_semaphore, #tpu.memory_space<semaphore_mem>>) src(%arg2 : memref<100352xf32, #tpu.memory_space<hbm>>) dst(%arg7 : memref<100352xf32, #tpu.memory_space<vmem>>)
      tpu.yield
    }) : () -> ()
    %add3A_3 = arith.constant 0 : i32
    %add3A_4 = arith.addi %mul3A_2, %add3A_3 : i32
    %dma_start3A = arith.constant 0 : i32
    %dma_start3A_5 = tpu.memref_slice %arg8[%dma_start3A] : memref<8000xi32, #tpu.memory_space<vmem>> -> memref<4000xi32, #tpu.memory_space<vmem>>
    %dma_start3A_6 = tpu.memref_slice %arg3[%add3A_4] : memref<3200000xi32, #tpu.memory_space<hbm>> -> memref<4000xi32, #tpu.memory_space<hbm>>
    %dma_start3A_7 = arith.constant 0 : i32
    %dma_start3A_8 = tpu.memref_slice %arg8[%dma_start3A_7] : memref<8000xi32, #tpu.memory_space<vmem>> -> memref<4000xi32, #tpu.memory_space<vmem>>
    %dma_start3A_9 = tpu.memref_slice %arg3[%add3A_4] : memref<3200000xi32, #tpu.memory_space<hbm>> -> memref<4000xi32, #tpu.memory_space<hbm>>
    tpu.enqueue_dma source(%dma_start3A_9 : memref<4000xi32, #tpu.memory_space<hbm>>) target(%dma_start3A_8 : memref<4000xi32, #tpu.memory_space<vmem>>) target_semaphore(%arg11 : memref<!tpu.dma_semaphore, #tpu.memory_space<semaphore_mem>>)
    %scan3A = arith.constant 0 : i32
    %scan3A_10 = arith.constant 0 : i32
    %scan3A_11 = arith.constant 12 : i32
    %scan3A_12 = arith.addi %scan3A_10, %scan3A_11 : i32
    %scan3A_13 = arith.constant 1 : i32
    scf.for %scan3A_97 = %scan3A_10 to %scan3A_12 step %scan3A_13  : i32 {
      %mul3A_98 = arith.constant 2 : i32
      %mul3A_99 = arith.muli %scan3A_97, %mul3A_98 : i32
      %add3A_100 = arith.constant 0 : i32
      %add3A_101 = arith.addi %mul3A_99, %add3A_100 : i32
      %add3A_102 = arith.constant 1 : i32
      %add3A_103 = arith.addi %add3A_101, %add3A_102 : i32
      %lt3A = arith.constant 25 : i32
      %lt3A_104 = arith.cmpi slt, %add3A_103, %lt3A : i32
      %convert_element_type3A = arith.extui %lt3A_104 : i1 to i32
      %cond3A = arith.constant 0 : i32
      %cond3A_105 = arith.cmpi ne, %convert_element_type3A, %cond3A : i32
      scf.if %cond3A_105 {
        %add3A_168 = arith.constant 1 : i32
        %add3A_169 = arith.addi %add3A_101, %add3A_168 : i32
        %mul3A_170 = arith.constant 4000 : i32
        %mul3A_171 = arith.muli %add3A_169, %mul3A_170 : i32
        %add3A_172 = arith.addi %mul3A_2, %mul3A_171 : i32
        %dma_start3A_173 = arith.constant 4000 : i32
        %dma_start3A_174 = tpu.memref_slice %arg8[%dma_start3A_173] : memref<8000xi32, #tpu.memory_space<vmem>> -> memref<4000xi32, #tpu.memory_space<vmem>>
        %dma_start3A_175 = tpu.memref_slice %arg3[%add3A_172] : memref<3200000xi32, #tpu.memory_space<hbm>> -> memref<4000xi32, #tpu.memory_space<hbm>>
        %dma_start3A_176 = arith.constant 4000 : i32
        %dma_start3A_177 = tpu.memref_slice %arg8[%dma_start3A_176] : memref<8000xi32, #tpu.memory_space<vmem>> -> memref<4000xi32, #tpu.memory_space<vmem>>
        %dma_start3A_178 = tpu.memref_slice %arg3[%add3A_172] : memref<3200000xi32, #tpu.memory_space<hbm>> -> memref<4000xi32, #tpu.memory_space<hbm>>
        tpu.enqueue_dma source(%dma_start3A_178 : memref<4000xi32, #tpu.memory_space<hbm>>) target(%dma_start3A_177 : memref<4000xi32, #tpu.memory_space<vmem>>) target_semaphore(%arg12 : memref<!tpu.dma_semaphore, #tpu.memory_space<semaphore_mem>>)
      } else {
      }
      %mul3A_106 = arith.constant 4000 : i32
      %mul3A_107 = arith.muli %add3A_101, %mul3A_106 : i32
      %add3A_108 = arith.addi %mul3A_2, %mul3A_107 : i32
      %dma_wait3A_109 = arith.constant 0 : i32
      %dma_wait3A_110 = tpu.memref_slice %arg8[%dma_wait3A_109] : memref<8000xi32, #tpu.memory_space<vmem>> -> memref<4000xi32, #tpu.memory_space<vmem>>
      %dma_wait3A_111 = tpu.memref_slice %arg3[%add3A_108] : memref<3200000xi32, #tpu.memory_space<hbm>> -> memref<4000xi32, #tpu.memory_space<hbm>>
      %dma_wait3A_112 = arith.constant 0 : i32
      %dma_wait3A_113 = tpu.memref_slice %arg8[%dma_wait3A_112] : memref<8000xi32, #tpu.memory_space<vmem>> -> memref<4000xi32, #tpu.memory_space<vmem>>
      %dma_wait3A_114 = tpu.memref_slice %arg3[%add3A_108] : memref<3200000xi32, #tpu.memory_space<hbm>> -> memref<4000xi32, #tpu.memory_space<hbm>>
      tpu.wait_dma2 semaphore(%arg11 : memref<!tpu.dma_semaphore, #tpu.memory_space<semaphore_mem>>) src(%dma_wait3A_114 : memref<4000xi32, #tpu.memory_space<hbm>>) dst(%dma_wait3A_113 : memref<4000xi32, #tpu.memory_space<vmem>>)
      %ge3A = arith.constant 2 : i32
      %ge3A_115 = arith.cmpi sge, %add3A_101, %ge3A : i32
      %convert_element_type3A_116 = arith.extui %ge3A_115 : i1 to i32
      %cond3A_117 = arith.constant 0 : i32
      %cond3A_118 = arith.cmpi ne, %convert_element_type3A_116, %cond3A_117 : i32
      scf.if %cond3A_118 {
        %sub3A = arith.constant 2 : i32
        %sub3A_168 = arith.subi %add3A_101, %sub3A : i32
        %mul3A_169 = arith.constant 4000 : i32
        %mul3A_170 = arith.muli %sub3A_168, %mul3A_169 : i32
        %add3A_171 = arith.addi %mul3A_2, %mul3A_170 : i32
        %dma_wait3A_172 = arith.constant 0 : i32
        %dma_wait3A_173 = tpu.memref_slice %arg10[%dma_wait3A_172] : memref<8000xf32, #tpu.memory_space<vmem>> -> memref<4000xf32, #tpu.memory_space<vmem>>
        %dma_wait3A_174 = tpu.memref_slice %arg5[%add3A_171] : memref<3200000xf32, #tpu.memory_space<hbm>> -> memref<4000xf32, #tpu.memory_space<hbm>>
        %dma_wait3A_175 = tpu.memref_slice %arg5[%add3A_171] : memref<3200000xf32, #tpu.memory_space<hbm>> -> memref<4000xf32, #tpu.memory_space<hbm>>
        %dma_wait3A_176 = arith.constant 0 : i32
        %dma_wait3A_177 = tpu.memref_slice %arg10[%dma_wait3A_176] : memref<8000xf32, #tpu.memory_space<vmem>> -> memref<4000xf32, #tpu.memory_space<vmem>>
        tpu.wait_dma2 semaphore(%arg15 : memref<!tpu.dma_semaphore, #tpu.memory_space<semaphore_mem>>) src(%dma_wait3A_177 : memref<4000xf32, #tpu.memory_space<vmem>>) dst(%dma_wait3A_175 : memref<4000xf32, #tpu.memory_space<hbm>>)
      } else {
      }
      %parallel_loop3A_119 = arith.constant 0 : i32
      %parallel_loop3A_120 = arith.constant 250 : i32
      %parallel_loop3A_121 = arith.constant 1 : i32
      scf.for %parallel_loop3A_168 = %parallel_loop3A_119 to %parallel_loop3A_120 step %parallel_loop3A_121  : i32 {
        %parallel_loop3A_169 = arith.constant 16 : i32
        %parallel_loop3A_170 = arith.muli %parallel_loop3A_168, %parallel_loop3A_169 : i32
        %parallel_loop3A_171 = arith.constant 0 : i32
        %parallel_loop3A_172 = arith.addi %parallel_loop3A_171, %parallel_loop3A_170 : i32
        %parallel_loop3A_173 = arith.index_cast %parallel_loop3A_172 : i32 to index
        %parallel_loop3A_174 = tpu.vector_load %arg8[%parallel_loop3A_173] {strides = array<i32>} : memref<8000xi32, #tpu.memory_space<vmem>>, vector<16xi32>,
        %parallel_loop3A_175 = tpu.vector_load_idx %arg7[%parallel_loop3A_174] : memref<100352xf32, #tpu.memory_space<vmem>>[vector<16xi32>], vector<16xf32>,
        %parallel_loop3A_176 = arith.index_cast %parallel_loop3A_172 : i32 to index
        %parallel_loop3A_177 = tpu.vector_load %arg10[%parallel_loop3A_176] {strides = array<i32>} : memref<8000xf32, #tpu.memory_space<vmem>>, vector<16xf32>,
        tpu.vector_store %arg10[%parallel_loop3A_176], %parallel_loop3A_175 {strides = array<i32>} : memref<8000xf32, #tpu.memory_space<vmem>>, vector<16xf32>,
      } {sc.loop_unroll_factor = 8 : i64, sc.parallel_access}
      %mul3A_122 = arith.constant 4000 : i32
      %mul3A_123 = arith.muli %add3A_101, %mul3A_122 : i32
      %add3A_124 = arith.addi %mul3A_2, %mul3A_123 : i32
      %dma_start3A_125 = arith.constant 0 : i32
      %dma_start3A_126 = tpu.memref_slice %arg10[%dma_start3A_125] : memref<8000xf32, #tpu.memory_space<vmem>> -> memref<4000xf32, #tpu.memory_space<vmem>>
      %dma_start3A_127 = tpu.memref_slice %arg5[%add3A_124] : memref<3200000xf32, #tpu.memory_space<hbm>> -> memref<4000xf32, #tpu.memory_space<hbm>>
      %dma_start3A_128 = tpu.memref_slice %arg5[%add3A_124] : memref<3200000xf32, #tpu.memory_space<hbm>> -> memref<4000xf32, #tpu.memory_space<hbm>>
      %dma_start3A_129 = arith.constant 0 : i32
      %dma_start3A_130 = tpu.memref_slice %arg10[%dma_start3A_129] : memref<8000xf32, #tpu.memory_space<vmem>> -> memref<4000xf32, #tpu.memory_space<vmem>>
      tpu.enqueue_dma source(%dma_start3A_130 : memref<4000xf32, #tpu.memory_space<vmem>>) target(%dma_start3A_128 : memref<4000xf32, #tpu.memory_space<hbm>>) target_semaphore(%arg15 : memref<!tpu.dma_semaphore, #tpu.memory_space<semaphore_mem>>)
      %mul3A_131 = arith.constant 2 : i32
      %mul3A_132 = arith.muli %scan3A_97, %mul3A_131 : i32
      %add3A_133 = arith.constant 1 : i32
      %add3A_134 = arith.addi %mul3A_132, %add3A_133 : i32
      %add3A_135 = arith.constant 1 : i32
      %add3A_136 = arith.addi %add3A_134, %add3A_135 : i32
      %lt3A_137 = arith.constant 25 : i32
      %lt3A_138 = arith.cmpi slt, %add3A_136, %lt3A_137 : i32
      %convert_element_type3A_139 = arith.extui %lt3A_138 : i1 to i32
      %cond3A_140 = arith.constant 0 : i32
      %cond3A_141 = arith.cmpi ne, %convert_element_type3A_139, %cond3A_140 : i32
      scf.if %cond3A_141 {
        %add3A_168 = arith.constant 1 : i32
        %add3A_169 = arith.addi %add3A_134, %add3A_168 : i32
        %mul3A_170 = arith.constant 4000 : i32
        %mul3A_171 = arith.muli %add3A_169, %mul3A_170 : i32
        %add3A_172 = arith.addi %mul3A_2, %mul3A_171 : i32
        %dma_start3A_173 = arith.constant 0 : i32
        %dma_start3A_174 = tpu.memref_slice %arg8[%dma_start3A_173] : memref<8000xi32, #tpu.memory_space<vmem>> -> memref<4000xi32, #tpu.memory_space<vmem>>
        %dma_start3A_175 = tpu.memref_slice %arg3[%add3A_172] : memref<3200000xi32, #tpu.memory_space<hbm>> -> memref<4000xi32, #tpu.memory_space<hbm>>
        %dma_start3A_176 = arith.constant 0 : i32
        %dma_start3A_177 = tpu.memref_slice %arg8[%dma_start3A_176] : memref<8000xi32, #tpu.memory_space<vmem>> -> memref<4000xi32, #tpu.memory_space<vmem>>
        %dma_start3A_178 = tpu.memref_slice %arg3[%add3A_172] : memref<3200000xi32, #tpu.memory_space<hbm>> -> memref<4000xi32, #tpu.memory_space<hbm>>
        tpu.enqueue_dma source(%dma_start3A_178 : memref<4000xi32, #tpu.memory_space<hbm>>) target(%dma_start3A_177 : memref<4000xi32, #tpu.memory_space<vmem>>) target_semaphore(%arg11 : memref<!tpu.dma_semaphore, #tpu.memory_space<semaphore_mem>>)
      } else {
      }
      %mul3A_142 = arith.constant 4000 : i32
      %mul3A_143 = arith.muli %add3A_134, %mul3A_142 : i32
      %add3A_144 = arith.addi %mul3A_2, %mul3A_143 : i32
      %dma_wait3A_145 = arith.constant 4000 : i32
      %dma_wait3A_146 = tpu.memref_slice %arg8[%dma_wait3A_145] : memref<8000xi32, #tpu.memory_space<vmem>> -> memref<4000xi32, #tpu.memory_space<vmem>>
      %dma_wait3A_147 = tpu.memref_slice %arg3[%add3A_144] : memref<3200000xi32, #tpu.memory_space<hbm>> -> memref<4000xi32, #tpu.memory_space<hbm>>
      %dma_wait3A_148 = arith.constant 4000 : i32
      %dma_wait3A_149 = tpu.memref_slice %arg8[%dma_wait3A_148] : memref<8000xi32, #tpu.memory_space<vmem>> -> memref<4000xi32, #tpu.memory_space<vmem>>
      %dma_wait3A_150 = tpu.memref_slice %arg3[%add3A_144] : memref<3200000xi32, #tpu.memory_space<hbm>> -> memref<4000xi32, #tpu.memory_space<hbm>>
      tpu.wait_dma2 semaphore(%arg12 : memref<!tpu.dma_semaphore, #tpu.memory_space<semaphore_mem>>) src(%dma_wait3A_150 : memref<4000xi32, #tpu.memory_space<hbm>>) dst(%dma_wait3A_149 : memref<4000xi32, #tpu.memory_space<vmem>>)
      %ge3A_151 = arith.constant 2 : i32
      %ge3A_152 = arith.cmpi sge, %add3A_134, %ge3A_151 : i32
      %convert_element_type3A_153 = arith.extui %ge3A_152 : i1 to i32
      %cond3A_154 = arith.constant 0 : i32
      %cond3A_155 = arith.cmpi ne, %convert_element_type3A_153, %cond3A_154 : i32
      scf.if %cond3A_155 {
        %sub3A = arith.constant 2 : i32
        %sub3A_168 = arith.subi %add3A_134, %sub3A : i32
        %mul3A_169 = arith.constant 4000 : i32
        %mul3A_170 = arith.muli %sub3A_168, %mul3A_169 : i32
        %add3A_171 = arith.addi %mul3A_2, %mul3A_170 : i32
        %dma_wait3A_172 = arith.constant 4000 : i32
        %dma_wait3A_173 = tpu.memref_slice %arg10[%dma_wait3A_172] : memref<8000xf32, #tpu.memory_space<vmem>> -> memref<4000xf32, #tpu.memory_space<vmem>>
        %dma_wait3A_174 = tpu.memref_slice %arg5[%add3A_171] : memref<3200000xf32, #tpu.memory_space<hbm>> -> memref<4000xf32, #tpu.memory_space<hbm>>
        %dma_wait3A_175 = tpu.memref_slice %arg5[%add3A_171] : memref<3200000xf32, #tpu.memory_space<hbm>> -> memref<4000xf32, #tpu.memory_space<hbm>>
        %dma_wait3A_176 = arith.constant 4000 : i32
        %dma_wait3A_177 = tpu.memref_slice %arg10[%dma_wait3A_176] : memref<8000xf32, #tpu.memory_space<vmem>> -> memref<4000xf32, #tpu.memory_space<vmem>>
        tpu.wait_dma2 semaphore(%arg16 : memref<!tpu.dma_semaphore, #tpu.memory_space<semaphore_mem>>) src(%dma_wait3A_177 : memref<4000xf32, #tpu.memory_space<vmem>>) dst(%dma_wait3A_175 : memref<4000xf32, #tpu.memory_space<hbm>>)
      } else {
      }
      %parallel_loop3A_156 = arith.constant 0 : i32
      %parallel_loop3A_157 = arith.constant 250 : i32
      %parallel_loop3A_158 = arith.constant 1 : i32
      scf.for %parallel_loop3A_168 = %parallel_loop3A_156 to %parallel_loop3A_157 step %parallel_loop3A_158  : i32 {
        %parallel_loop3A_169 = arith.constant 16 : i32
        %parallel_loop3A_170 = arith.muli %parallel_loop3A_168, %parallel_loop3A_169 : i32
        %parallel_loop3A_171 = arith.constant 4000 : i32
        %parallel_loop3A_172 = arith.addi %parallel_loop3A_171, %parallel_loop3A_170 : i32
        %parallel_loop3A_173 = arith.index_cast %parallel_loop3A_172 : i32 to index
        %parallel_loop3A_174 = tpu.vector_load %arg8[%parallel_loop3A_173] {strides = array<i32>} : memref<8000xi32, #tpu.memory_space<vmem>>, vector<16xi32>,
        %parallel_loop3A_175 = tpu.vector_load_idx %arg7[%parallel_loop3A_174] : memref<100352xf32, #tpu.memory_space<vmem>>[vector<16xi32>], vector<16xf32>,
        %parallel_loop3A_176 = arith.index_cast %parallel_loop3A_172 : i32 to index
        %parallel_loop3A_177 = tpu.vector_load %arg10[%parallel_loop3A_176] {strides = array<i32>} : memref<8000xf32, #tpu.memory_space<vmem>>, vector<16xf32>,
        tpu.vector_store %arg10[%parallel_loop3A_176], %parallel_loop3A_175 {strides = array<i32>} : memref<8000xf32, #tpu.memory_space<vmem>>, vector<16xf32>,
      } {sc.loop_unroll_factor = 8 : i64, sc.parallel_access}
      %mul3A_159 = arith.constant 4000 : i32
      %mul3A_160 = arith.muli %add3A_134, %mul3A_159 : i32
      %add3A_161 = arith.addi %mul3A_2, %mul3A_160 : i32
      %dma_start3A_162 = arith.constant 4000 : i32
      %dma_start3A_163 = tpu.memref_slice %arg10[%dma_start3A_162] : memref<8000xf32, #tpu.memory_space<vmem>> -> memref<4000xf32, #tpu.memory_space<vmem>>
      %dma_start3A_164 = tpu.memref_slice %arg5[%add3A_161] : memref<3200000xf32, #tpu.memory_space<hbm>> -> memref<4000xf32, #tpu.memory_space<hbm>>
      %dma_start3A_165 = tpu.memref_slice %arg5[%add3A_161] : memref<3200000xf32, #tpu.memory_space<hbm>> -> memref<4000xf32, #tpu.memory_space<hbm>>
      %dma_start3A_166 = arith.constant 4000 : i32
      %dma_start3A_167 = tpu.memref_slice %arg10[%dma_start3A_166] : memref<8000xf32, #tpu.memory_space<vmem>> -> memref<4000xf32, #tpu.memory_space<vmem>>
      tpu.enqueue_dma source(%dma_start3A_167 : memref<4000xf32, #tpu.memory_space<vmem>>) target(%dma_start3A_165 : memref<4000xf32, #tpu.memory_space<hbm>>) target_semaphore(%arg16 : memref<!tpu.dma_semaphore, #tpu.memory_space<semaphore_mem>>)
    }
    %scan3A_14 = arith.constant 12 : i32
    %add3A_15 = arith.constant 88000 : i32
    %add3A_16 = arith.addi %mul3A_2, %add3A_15 : i32
    %dma_wait3A = arith.constant 0 : i32
    %dma_wait3A_17 = tpu.memref_slice %arg10[%dma_wait3A] : memref<8000xf32, #tpu.memory_space<vmem>> -> memref<4000xf32, #tpu.memory_space<vmem>>
    %dma_wait3A_18 = tpu.memref_slice %arg5[%add3A_16] : memref<3200000xf32, #tpu.memory_space<hbm>> -> memref<4000xf32, #tpu.memory_space<hbm>>
    %dma_wait3A_19 = tpu.memref_slice %arg5[%add3A_16] : memref<3200000xf32, #tpu.memory_space<hbm>> -> memref<4000xf32, #tpu.memory_space<hbm>>
    %dma_wait3A_20 = arith.constant 0 : i32
    %dma_wait3A_21 = tpu.memref_slice %arg10[%dma_wait3A_20] : memref<8000xf32, #tpu.memory_space<vmem>> -> memref<4000xf32, #tpu.memory_space<vmem>>
    tpu.wait_dma2 semaphore(%arg15 : memref<!tpu.dma_semaphore, #tpu.memory_space<semaphore_mem>>) src(%dma_wait3A_21 : memref<4000xf32, #tpu.memory_space<vmem>>) dst(%dma_wait3A_19 : memref<4000xf32, #tpu.memory_space<hbm>>)
    %add3A_22 = arith.constant 96000 : i32
    %add3A_23 = arith.addi %mul3A_2, %add3A_22 : i32
    %dma_wait3A_24 = arith.constant 0 : i32
    %dma_wait3A_25 = tpu.memref_slice %arg8[%dma_wait3A_24] : memref<8000xi32, #tpu.memory_space<vmem>> -> memref<4000xi32, #tpu.memory_space<vmem>>
    %dma_wait3A_26 = tpu.memref_slice %arg3[%add3A_23] : memref<3200000xi32, #tpu.memory_space<hbm>> -> memref<4000xi32, #tpu.memory_space<hbm>>
    %dma_wait3A_27 = arith.constant 0 : i32
    %dma_wait3A_28 = tpu.memref_slice %arg8[%dma_wait3A_27] : memref<8000xi32, #tpu.memory_space<vmem>> -> memref<4000xi32, #tpu.memory_space<vmem>>
    %dma_wait3A_29 = tpu.memref_slice %arg3[%add3A_23] : memref<3200000xi32, #tpu.memory_space<hbm>> -> memref<4000xi32, #tpu.memory_space<hbm>>
    tpu.wait_dma2 semaphore(%arg11 : memref<!tpu.dma_semaphore, #tpu.memory_space<semaphore_mem>>) src(%dma_wait3A_29 : memref<4000xi32, #tpu.memory_space<hbm>>) dst(%dma_wait3A_28 : memref<4000xi32, #tpu.memory_space<vmem>>)
    %parallel_loop3A = arith.constant 0 : i32
    %parallel_loop3A_30 = arith.constant 250 : i32
    %parallel_loop3A_31 = arith.constant 1 : i32
    scf.for %parallel_loop3A_97 = %parallel_loop3A to %parallel_loop3A_30 step %parallel_loop3A_31  : i32 {
      %parallel_loop3A_98 = arith.constant 16 : i32
      %parallel_loop3A_99 = arith.muli %parallel_loop3A_97, %parallel_loop3A_98 : i32
      %parallel_loop3A_100 = arith.index_cast %parallel_loop3A_99 : i32 to index
      %parallel_loop3A_101 = tpu.vector_load %arg8[%parallel_loop3A_100] {strides = array<i32>} : memref<8000xi32, #tpu.memory_space<vmem>>, vector<16xi32>,
      %parallel_loop3A_102 = tpu.vector_load_idx %arg7[%parallel_loop3A_101] : memref<100352xf32, #tpu.memory_space<vmem>>[vector<16xi32>], vector<16xf32>,
      %parallel_loop3A_103 = arith.index_cast %parallel_loop3A_99 : i32 to index
      %parallel_loop3A_104 = tpu.vector_load %arg10[%parallel_loop3A_103] {strides = array<i32>} : memref<8000xf32, #tpu.memory_space<vmem>>, vector<16xf32>,
      tpu.vector_store %arg10[%parallel_loop3A_103], %parallel_loop3A_102 {strides = array<i32>} : memref<8000xf32, #tpu.memory_space<vmem>>, vector<16xf32>,
    } {sc.loop_unroll_factor = 8 : i64, sc.parallel_access}
    %add3A_32 = arith.constant 96000 : i32
    %add3A_33 = arith.addi %mul3A_2, %add3A_32 : i32
    %dma_start3A_34 = arith.constant 0 : i32
    %dma_start3A_35 = tpu.memref_slice %arg10[%dma_start3A_34] : memref<8000xf32, #tpu.memory_space<vmem>> -> memref<4000xf32, #tpu.memory_space<vmem>>
    %dma_start3A_36 = tpu.memref_slice %arg5[%add3A_33] : memref<3200000xf32, #tpu.memory_space<hbm>> -> memref<4000xf32, #tpu.memory_space<hbm>>
    %dma_start3A_37 = tpu.memref_slice %arg5[%add3A_33] : memref<3200000xf32, #tpu.memory_space<hbm>> -> memref<4000xf32, #tpu.memory_space<hbm>>
    %dma_start3A_38 = arith.constant 0 : i32
    %dma_start3A_39 = tpu.memref_slice %arg10[%dma_start3A_38] : memref<8000xf32, #tpu.memory_space<vmem>> -> memref<4000xf32, #tpu.memory_space<vmem>>
    tpu.enqueue_dma source(%dma_start3A_39 : memref<4000xf32, #tpu.memory_space<vmem>>) target(%dma_start3A_37 : memref<4000xf32, #tpu.memory_space<hbm>>) target_semaphore(%arg15 : memref<!tpu.dma_semaphore, #tpu.memory_space<semaphore_mem>>)
    %add3A_40 = arith.constant 92000 : i32
    %add3A_41 = arith.addi %mul3A_2, %add3A_40 : i32
    %dma_wait3A_42 = arith.constant 4000 : i32
    %dma_wait3A_43 = tpu.memref_slice %arg10[%dma_wait3A_42] : memref<8000xf32, #tpu.memory_space<vmem>> -> memref<4000xf32, #tpu.memory_space<vmem>>
    %dma_wait3A_44 = tpu.memref_slice %arg5[%add3A_41] : memref<3200000xf32, #tpu.memory_space<hbm>> -> memref<4000xf32, #tpu.memory_space<hbm>>
    %dma_wait3A_45 = tpu.memref_slice %arg5[%add3A_41] : memref<3200000xf32, #tpu.memory_space<hbm>> -> memref<4000xf32, #tpu.memory_space<hbm>>
    %dma_wait3A_46 = arith.constant 4000 : i32
    %dma_wait3A_47 = tpu.memref_slice %arg10[%dma_wait3A_46] : memref<8000xf32, #tpu.memory_space<vmem>> -> memref<4000xf32, #tpu.memory_space<vmem>>
    tpu.wait_dma2 semaphore(%arg16 : memref<!tpu.dma_semaphore, #tpu.memory_space<semaphore_mem>>) src(%dma_wait3A_47 : memref<4000xf32, #tpu.memory_space<vmem>>) dst(%dma_wait3A_45 : memref<4000xf32, #tpu.memory_space<hbm>>)
    %add3A_48 = arith.constant 96000 : i32
    %add3A_49 = arith.addi %mul3A_2, %add3A_48 : i32
    %dma_wait3A_50 = arith.constant 0 : i32
    %dma_wait3A_51 = tpu.memref_slice %arg10[%dma_wait3A_50] : memref<8000xf32, #tpu.memory_space<vmem>> -> memref<4000xf32, #tpu.memory_space<vmem>>
    %dma_wait3A_52 = tpu.memref_slice %arg5[%add3A_49] : memref<3200000xf32, #tpu.memory_space<hbm>> -> memref<4000xf32, #tpu.memory_space<hbm>>
    %dma_wait3A_53 = tpu.memref_slice %arg5[%add3A_49] : memref<3200000xf32, #tpu.memory_space<hbm>> -> memref<4000xf32, #tpu.memory_space<hbm>>
    %dma_wait3A_54 = arith.constant 0 : i32
    %dma_wait3A_55 = tpu.memref_slice %arg10[%dma_wait3A_54] : memref<8000xf32, #tpu.memory_space<vmem>> -> memref<4000xf32, #tpu.memory_space<vmem>>
    tpu.wait_dma2 semaphore(%arg15 : memref<!tpu.dma_semaphore, #tpu.memory_space<semaphore_mem>>) src(%dma_wait3A_55 : memref<4000xf32, #tpu.memory_space<vmem>>) dst(%dma_wait3A_53 : memref<4000xf32, #tpu.memory_space<hbm>>)
    %broadcast_in_dim3A = arith.constant 0.000000e+00 : f32
    %broadcast_in_dim3A_56 = vector.broadcast %broadcast_in_dim3A : f32 to vector<16xf32>
    %parallel_loop3A_57 = arith.constant 0 : i32
    %parallel_loop3A_58 = arith.constant 6272 : i32
    %parallel_loop3A_59 = arith.constant 1 : i32
    scf.for %parallel_loop3A_97 = %parallel_loop3A_57 to %parallel_loop3A_58 step %parallel_loop3A_59  : i32 {
      %parallel_loop3A_98 = arith.constant 16 : i32
      %parallel_loop3A_99 = arith.muli %parallel_loop3A_97, %parallel_loop3A_98 : i32
      %parallel_loop3A_100 = arith.index_cast %parallel_loop3A_99 : i32 to index
      %parallel_loop3A_101 = tpu.vector_load %arg7[%parallel_loop3A_100] {strides = array<i32>} : memref<100352xf32, #tpu.memory_space<vmem>>, vector<16xf32>,
      tpu.vector_store %arg7[%parallel_loop3A_100], %broadcast_in_dim3A_56 {strides = array<i32>} : memref<100352xf32, #tpu.memory_space<vmem>>, vector<16xf32>,
    } {sc.loop_unroll_factor = 8 : i64, sc.parallel_access}
    %add3A_60 = arith.constant 0 : i32
    %add3A_61 = arith.addi %mul3A_2, %add3A_60 : i32
    %dma_start3A_62 = arith.constant 0 : i32
    %dma_start3A_63 = tpu.memref_slice %arg8[%dma_start3A_62] : memref<8000xi32, #tpu.memory_space<vmem>> -> memref<4000xi32, #tpu.memory_space<vmem>>
    %dma_start3A_64 = tpu.memref_slice %arg4[%add3A_61] : memref<3200000xi32, #tpu.memory_space<hbm>> -> memref<4000xi32, #tpu.memory_space<hbm>>
    %dma_start3A_65 = arith.constant 0 : i32
    %dma_start3A_66 = tpu.memref_slice %arg8[%dma_start3A_65] : memref<8000xi32, #tpu.memory_space<vmem>> -> memref<4000xi32, #tpu.memory_space<vmem>>
    %dma_start3A_67 = tpu.memref_slice %arg4[%add3A_61] : memref<3200000xi32, #tpu.memory_space<hbm>> -> memref<4000xi32, #tpu.memory_space<hbm>>
    tpu.enqueue_dma source(%dma_start3A_67 : memref<4000xi32, #tpu.memory_space<hbm>>) target(%dma_start3A_66 : memref<4000xi32, #tpu.memory_space<vmem>>) target_semaphore(%arg11 : memref<!tpu.dma_semaphore, #tpu.memory_space<semaphore_mem>>)
    %dma_start3A_68 = arith.constant 0 : i32
    %dma_start3A_69 = tpu.memref_slice %arg9[%dma_start3A_68] : memref<8000xf32, #tpu.memory_space<vmem>> -> memref<4000xf32, #tpu.memory_space<vmem>>
    %dma_start3A_70 = tpu.memref_slice %arg5[%add3A_61] : memref<3200000xf32, #tpu.memory_space<hbm>> -> memref<4000xf32, #tpu.memory_space<hbm>>
    %dma_start3A_71 = arith.constant 0 : i32
    %dma_start3A_72 = tpu.memref_slice %arg9[%dma_start3A_71] : memref<8000xf32, #tpu.memory_space<vmem>> -> memref<4000xf32, #tpu.memory_space<vmem>>
    %dma_start3A_73 = tpu.memref_slice %arg5[%add3A_61] : memref<3200000xf32, #tpu.memory_space<hbm>> -> memref<4000xf32, #tpu.memory_space<hbm>>
    tpu.enqueue_dma source(%dma_start3A_73 : memref<4000xf32, #tpu.memory_space<hbm>>) target(%dma_start3A_72 : memref<4000xf32, #tpu.memory_space<vmem>>) target_semaphore(%arg13 : memref<!tpu.dma_semaphore, #tpu.memory_space<semaphore_mem>>)
    %scan3A_74 = arith.constant 0 : i32
    %scan3A_75 = arith.constant 0 : i32
    %scan3A_76 = arith.constant 12 : i32
    %scan3A_77 = arith.addi %scan3A_75, %scan3A_76 : i32
    %scan3A_78 = arith.constant 1 : i32
    scf.for %scan3A_97 = %scan3A_75 to %scan3A_77 step %scan3A_78  : i32 {
      %mul3A_98 = arith.constant 2 : i32
      %mul3A_99 = arith.muli %scan3A_97, %mul3A_98 : i32
      %add3A_100 = arith.constant 0 : i32
      %add3A_101 = arith.addi %mul3A_99, %add3A_100 : i32
      %add3A_102 = arith.constant 1 : i32
      %add3A_103 = arith.addi %add3A_101, %add3A_102 : i32
      %lt3A = arith.constant 25 : i32
      %lt3A_104 = arith.cmpi slt, %add3A_103, %lt3A : i32
      %convert_element_type3A = arith.extui %lt3A_104 : i1 to i32
      %cond3A = arith.constant 0 : i32
      %cond3A_105 = arith.cmpi ne, %convert_element_type3A, %cond3A : i32
      scf.if %cond3A_105 {
        %add3A_153 = arith.constant 1 : i32
        %add3A_154 = arith.addi %add3A_101, %add3A_153 : i32
        %mul3A_155 = arith.constant 4000 : i32
        %mul3A_156 = arith.muli %add3A_154, %mul3A_155 : i32
        %add3A_157 = arith.addi %mul3A_2, %mul3A_156 : i32
        %dma_start3A_158 = arith.constant 4000 : i32
        %dma_start3A_159 = tpu.memref_slice %arg8[%dma_start3A_158] : memref<8000xi32, #tpu.memory_space<vmem>> -> memref<4000xi32, #tpu.memory_space<vmem>>
        %dma_start3A_160 = tpu.memref_slice %arg4[%add3A_157] : memref<3200000xi32, #tpu.memory_space<hbm>> -> memref<4000xi32, #tpu.memory_space<hbm>>
        %dma_start3A_161 = arith.constant 4000 : i32
        %dma_start3A_162 = tpu.memref_slice %arg8[%dma_start3A_161] : memref<8000xi32, #tpu.memory_space<vmem>> -> memref<4000xi32, #tpu.memory_space<vmem>>
        %dma_start3A_163 = tpu.memref_slice %arg4[%add3A_157] : memref<3200000xi32, #tpu.memory_space<hbm>> -> memref<4000xi32, #tpu.memory_space<hbm>>
        tpu.enqueue_dma source(%dma_start3A_163 : memref<4000xi32, #tpu.memory_space<hbm>>) target(%dma_start3A_162 : memref<4000xi32, #tpu.memory_space<vmem>>) target_semaphore(%arg12 : memref<!tpu.dma_semaphore, #tpu.memory_space<semaphore_mem>>)
        %dma_start3A_164 = arith.constant 4000 : i32
        %dma_start3A_165 = tpu.memref_slice %arg9[%dma_start3A_164] : memref<8000xf32, #tpu.memory_space<vmem>> -> memref<4000xf32, #tpu.memory_space<vmem>>
        %dma_start3A_166 = tpu.memref_slice %arg5[%add3A_157] : memref<3200000xf32, #tpu.memory_space<hbm>> -> memref<4000xf32, #tpu.memory_space<hbm>>
        %dma_start3A_167 = arith.constant 4000 : i32
        %dma_start3A_168 = tpu.memref_slice %arg9[%dma_start3A_167] : memref<8000xf32, #tpu.memory_space<vmem>> -> memref<4000xf32, #tpu.memory_space<vmem>>
        %dma_start3A_169 = tpu.memref_slice %arg5[%add3A_157] : memref<3200000xf32, #tpu.memory_space<hbm>> -> memref<4000xf32, #tpu.memory_space<hbm>>
        tpu.enqueue_dma source(%dma_start3A_169 : memref<4000xf32, #tpu.memory_space<hbm>>) target(%dma_start3A_168 : memref<4000xf32, #tpu.memory_space<vmem>>) target_semaphore(%arg14 : memref<!tpu.dma_semaphore, #tpu.memory_space<semaphore_mem>>)
      } else {
      }
      %mul3A_106 = arith.constant 4000 : i32
      %mul3A_107 = arith.muli %add3A_101, %mul3A_106 : i32
      %add3A_108 = arith.addi %mul3A_2, %mul3A_107 : i32
      %dma_wait3A_109 = arith.constant 0 : i32
      %dma_wait3A_110 = tpu.memref_slice %arg8[%dma_wait3A_109] : memref<8000xi32, #tpu.memory_space<vmem>> -> memref<4000xi32, #tpu.memory_space<vmem>>
      %dma_wait3A_111 = tpu.memref_slice %arg4[%add3A_108] : memref<3200000xi32, #tpu.memory_space<hbm>> -> memref<4000xi32, #tpu.memory_space<hbm>>
      %dma_wait3A_112 = arith.constant 0 : i32
      %dma_wait3A_113 = tpu.memref_slice %arg8[%dma_wait3A_112] : memref<8000xi32, #tpu.memory_space<vmem>> -> memref<4000xi32, #tpu.memory_space<vmem>>
      %dma_wait3A_114 = tpu.memref_slice %arg4[%add3A_108] : memref<3200000xi32, #tpu.memory_space<hbm>> -> memref<4000xi32, #tpu.memory_space<hbm>>
      tpu.wait_dma2 semaphore(%arg11 : memref<!tpu.dma_semaphore, #tpu.memory_space<semaphore_mem>>) src(%dma_wait3A_114 : memref<4000xi32, #tpu.memory_space<hbm>>) dst(%dma_wait3A_113 : memref<4000xi32, #tpu.memory_space<vmem>>)
      %dma_wait3A_115 = arith.constant 0 : i32
      %dma_wait3A_116 = tpu.memref_slice %arg9[%dma_wait3A_115] : memref<8000xf32, #tpu.memory_space<vmem>> -> memref<4000xf32, #tpu.memory_space<vmem>>
      %dma_wait3A_117 = tpu.memref_slice %arg5[%add3A_108] : memref<3200000xf32, #tpu.memory_space<hbm>> -> memref<4000xf32, #tpu.memory_space<hbm>>
      %dma_wait3A_118 = arith.constant 0 : i32
      %dma_wait3A_119 = tpu.memref_slice %arg9[%dma_wait3A_118] : memref<8000xf32, #tpu.memory_space<vmem>> -> memref<4000xf32, #tpu.memory_space<vmem>>
      %dma_wait3A_120 = tpu.memref_slice %arg5[%add3A_108] : memref<3200000xf32, #tpu.memory_space<hbm>> -> memref<4000xf32, #tpu.memory_space<hbm>>
      tpu.wait_dma2 semaphore(%arg13 : memref<!tpu.dma_semaphore, #tpu.memory_space<semaphore_mem>>) src(%dma_wait3A_120 : memref<4000xf32, #tpu.memory_space<hbm>>) dst(%dma_wait3A_119 : memref<4000xf32, #tpu.memory_space<vmem>>)
      %parallel_loop3A_121 = arith.constant 0 : i32
      %parallel_loop3A_122 = arith.constant 250 : i32
      %parallel_loop3A_123 = arith.constant 1 : i32
      scf.for %parallel_loop3A_153 = %parallel_loop3A_121 to %parallel_loop3A_122 step %parallel_loop3A_123  : i32 {
        %parallel_loop3A_154 = arith.constant 16 : i32
        %parallel_loop3A_155 = arith.muli %parallel_loop3A_153, %parallel_loop3A_154 : i32
        %parallel_loop3A_156 = arith.constant 0 : i32
        %parallel_loop3A_157 = arith.addi %parallel_loop3A_156, %parallel_loop3A_155 : i32
        %parallel_loop3A_158 = arith.index_cast %parallel_loop3A_157 : i32 to index
        %parallel_loop3A_159 = tpu.vector_load %arg8[%parallel_loop3A_158] {strides = array<i32>} : memref<8000xi32, #tpu.memory_space<vmem>>, vector<16xi32>,
        %parallel_loop3A_160 = arith.index_cast %parallel_loop3A_157 : i32 to index
        %parallel_loop3A_161 = tpu.vector_load %arg9[%parallel_loop3A_160] {strides = array<i32>} : memref<8000xf32, #tpu.memory_space<vmem>>, vector<16xf32>,
        tpu.vector_store_idx %arg7[%parallel_loop3A_159], %parallel_loop3A_161 {add = true} : memref<100352xf32, #tpu.memory_space<vmem>>[vector<16xi32>], vector<16xf32>,
      } {sc.loop_unroll_factor = 8 : i64, sc.parallel_access}
      %mul3A_124 = arith.constant 2 : i32
      %mul3A_125 = arith.muli %scan3A_97, %mul3A_124 : i32
      %add3A_126 = arith.constant 1 : i32
      %add3A_127 = arith.addi %mul3A_125, %add3A_126 : i32
      %add3A_128 = arith.constant 1 : i32
      %add3A_129 = arith.addi %add3A_127, %add3A_128 : i32
      %lt3A_130 = arith.constant 25 : i32
      %lt3A_131 = arith.cmpi slt, %add3A_129, %lt3A_130 : i32
      %convert_element_type3A_132 = arith.extui %lt3A_131 : i1 to i32
      %cond3A_133 = arith.constant 0 : i32
      %cond3A_134 = arith.cmpi ne, %convert_element_type3A_132, %cond3A_133 : i32
      scf.if %cond3A_134 {
        %add3A_153 = arith.constant 1 : i32
        %add3A_154 = arith.addi %add3A_127, %add3A_153 : i32
        %mul3A_155 = arith.constant 4000 : i32
        %mul3A_156 = arith.muli %add3A_154, %mul3A_155 : i32
        %add3A_157 = arith.addi %mul3A_2, %mul3A_156 : i32
        %dma_start3A_158 = arith.constant 0 : i32
        %dma_start3A_159 = tpu.memref_slice %arg8[%dma_start3A_158] : memref<8000xi32, #tpu.memory_space<vmem>> -> memref<4000xi32, #tpu.memory_space<vmem>>
        %dma_start3A_160 = tpu.memref_slice %arg4[%add3A_157] : memref<3200000xi32, #tpu.memory_space<hbm>> -> memref<4000xi32, #tpu.memory_space<hbm>>
        %dma_start3A_161 = arith.constant 0 : i32
        %dma_start3A_162 = tpu.memref_slice %arg8[%dma_start3A_161] : memref<8000xi32, #tpu.memory_space<vmem>> -> memref<4000xi32, #tpu.memory_space<vmem>>
        %dma_start3A_163 = tpu.memref_slice %arg4[%add3A_157] : memref<3200000xi32, #tpu.memory_space<hbm>> -> memref<4000xi32, #tpu.memory_space<hbm>>
        tpu.enqueue_dma source(%dma_start3A_163 : memref<4000xi32, #tpu.memory_space<hbm>>) target(%dma_start3A_162 : memref<4000xi32, #tpu.memory_space<vmem>>) target_semaphore(%arg11 : memref<!tpu.dma_semaphore, #tpu.memory_space<semaphore_mem>>)
        %dma_start3A_164 = arith.constant 0 : i32
        %dma_start3A_165 = tpu.memref_slice %arg9[%dma_start3A_164] : memref<8000xf32, #tpu.memory_space<vmem>> -> memref<4000xf32, #tpu.memory_space<vmem>>
        %dma_start3A_166 = tpu.memref_slice %arg5[%add3A_157] : memref<3200000xf32, #tpu.memory_space<hbm>> -> memref<4000xf32, #tpu.memory_space<hbm>>
        %dma_start3A_167 = arith.constant 0 : i32
        %dma_start3A_168 = tpu.memref_slice %arg9[%dma_start3A_167] : memref<8000xf32, #tpu.memory_space<vmem>> -> memref<4000xf32, #tpu.memory_space<vmem>>
        %dma_start3A_169 = tpu.memref_slice %arg5[%add3A_157] : memref<3200000xf32, #tpu.memory_space<hbm>> -> memref<4000xf32, #tpu.memory_space<hbm>>
        tpu.enqueue_dma source(%dma_start3A_169 : memref<4000xf32, #tpu.memory_space<hbm>>) target(%dma_start3A_168 : memref<4000xf32, #tpu.memory_space<vmem>>) target_semaphore(%arg13 : memref<!tpu.dma_semaphore, #tpu.memory_space<semaphore_mem>>)
      } else {
      }
      %mul3A_135 = arith.constant 4000 : i32
      %mul3A_136 = arith.muli %add3A_127, %mul3A_135 : i32
      %add3A_137 = arith.addi %mul3A_2, %mul3A_136 : i32
      %dma_wait3A_138 = arith.constant 4000 : i32
      %dma_wait3A_139 = tpu.memref_slice %arg8[%dma_wait3A_138] : memref<8000xi32, #tpu.memory_space<vmem>> -> memref<4000xi32, #tpu.memory_space<vmem>>
      %dma_wait3A_140 = tpu.memref_slice %arg4[%add3A_137] : memref<3200000xi32, #tpu.memory_space<hbm>> -> memref<4000xi32, #tpu.memory_space<hbm>>
      %dma_wait3A_141 = arith.constant 4000 : i32
      %dma_wait3A_142 = tpu.memref_slice %arg8[%dma_wait3A_141] : memref<8000xi32, #tpu.memory_space<vmem>> -> memref<4000xi32, #tpu.memory_space<vmem>>
      %dma_wait3A_143 = tpu.memref_slice %arg4[%add3A_137] : memref<3200000xi32, #tpu.memory_space<hbm>> -> memref<4000xi32, #tpu.memory_space<hbm>>
      tpu.wait_dma2 semaphore(%arg12 : memref<!tpu.dma_semaphore, #tpu.memory_space<semaphore_mem>>) src(%dma_wait3A_143 : memref<4000xi32, #tpu.memory_space<hbm>>) dst(%dma_wait3A_142 : memref<4000xi32, #tpu.memory_space<vmem>>)
      %dma_wait3A_144 = arith.constant 4000 : i32
      %dma_wait3A_145 = tpu.memref_slice %arg9[%dma_wait3A_144] : memref<8000xf32, #tpu.memory_space<vmem>> -> memref<4000xf32, #tpu.memory_space<vmem>>
      %dma_wait3A_146 = tpu.memref_slice %arg5[%add3A_137] : memref<3200000xf32, #tpu.memory_space<hbm>> -> memref<4000xf32, #tpu.memory_space<hbm>>
      %dma_wait3A_147 = arith.constant 4000 : i32
      %dma_wait3A_148 = tpu.memref_slice %arg9[%dma_wait3A_147] : memref<8000xf32, #tpu.memory_space<vmem>> -> memref<4000xf32, #tpu.memory_space<vmem>>
      %dma_wait3A_149 = tpu.memref_slice %arg5[%add3A_137] : memref<3200000xf32, #tpu.memory_space<hbm>> -> memref<4000xf32, #tpu.memory_space<hbm>>
      tpu.wait_dma2 semaphore(%arg14 : memref<!tpu.dma_semaphore, #tpu.memory_space<semaphore_mem>>) src(%dma_wait3A_149 : memref<4000xf32, #tpu.memory_space<hbm>>) dst(%dma_wait3A_148 : memref<4000xf32, #tpu.memory_space<vmem>>)
      %parallel_loop3A_150 = arith.constant 0 : i32
      %parallel_loop3A_151 = arith.constant 250 : i32
      %parallel_loop3A_152 = arith.constant 1 : i32
      scf.for %parallel_loop3A_153 = %parallel_loop3A_150 to %parallel_loop3A_151 step %parallel_loop3A_152  : i32 {
        %parallel_loop3A_154 = arith.constant 16 : i32
        %parallel_loop3A_155 = arith.muli %parallel_loop3A_153, %parallel_loop3A_154 : i32
        %parallel_loop3A_156 = arith.constant 4000 : i32
        %parallel_loop3A_157 = arith.addi %parallel_loop3A_156, %parallel_loop3A_155 : i32
        %parallel_loop3A_158 = arith.index_cast %parallel_loop3A_157 : i32 to index
        %parallel_loop3A_159 = tpu.vector_load %arg8[%parallel_loop3A_158] {strides = array<i32>} : memref<8000xi32, #tpu.memory_space<vmem>>, vector<16xi32>,
        %parallel_loop3A_160 = arith.index_cast %parallel_loop3A_157 : i32 to index
        %parallel_loop3A_161 = tpu.vector_load %arg9[%parallel_loop3A_160] {strides = array<i32>} : memref<8000xf32, #tpu.memory_space<vmem>>, vector<16xf32>,
        tpu.vector_store_idx %arg7[%parallel_loop3A_159], %parallel_loop3A_161 {add = true} : memref<100352xf32, #tpu.memory_space<vmem>>[vector<16xi32>], vector<16xf32>,
      } {sc.loop_unroll_factor = 8 : i64, sc.parallel_access}
    }
    %scan3A_79 = arith.constant 12 : i32
    %add3A_80 = arith.constant 96000 : i32
    %add3A_81 = arith.addi %mul3A_2, %add3A_80 : i32
    %dma_wait3A_82 = arith.constant 0 : i32
    %dma_wait3A_83 = tpu.memref_slice %arg8[%dma_wait3A_82] : memref<8000xi32, #tpu.memory_space<vmem>> -> memref<4000xi32, #tpu.memory_space<vmem>>
    %dma_wait3A_84 = tpu.memref_slice %arg4[%add3A_81] : memref<3200000xi32, #tpu.memory_space<hbm>> -> memref<4000xi32, #tpu.memory_space<hbm>>
    %dma_wait3A_85 = arith.constant 0 : i32
    %dma_wait3A_86 = tpu.memref_slice %arg8[%dma_wait3A_85] : memref<8000xi32, #tpu.memory_space<vmem>> -> memref<4000xi32, #tpu.memory_space<vmem>>
    %dma_wait3A_87 = tpu.memref_slice %arg4[%add3A_81] : memref<3200000xi32, #tpu.memory_space<hbm>> -> memref<4000xi32, #tpu.memory_space<hbm>>
    tpu.wait_dma2 semaphore(%arg11 : memref<!tpu.dma_semaphore, #tpu.memory_space<semaphore_mem>>) src(%dma_wait3A_87 : memref<4000xi32, #tpu.memory_space<hbm>>) dst(%dma_wait3A_86 : memref<4000xi32, #tpu.memory_space<vmem>>)
    %dma_wait3A_88 = arith.constant 0 : i32
    %dma_wait3A_89 = tpu.memref_slice %arg9[%dma_wait3A_88] : memref<8000xf32, #tpu.memory_space<vmem>> -> memref<4000xf32, #tpu.memory_space<vmem>>
    %dma_wait3A_90 = tpu.memref_slice %arg5[%add3A_81] : memref<3200000xf32, #tpu.memory_space<hbm>> -> memref<4000xf32, #tpu.memory_space<hbm>>
    %dma_wait3A_91 = arith.constant 0 : i32
    %dma_wait3A_92 = tpu.memref_slice %arg9[%dma_wait3A_91] : memref<8000xf32, #tpu.memory_space<vmem>> -> memref<4000xf32, #tpu.memory_space<vmem>>
    %dma_wait3A_93 = tpu.memref_slice %arg5[%add3A_81] : memref<3200000xf32, #tpu.memory_space<hbm>> -> memref<4000xf32, #tpu.memory_space<hbm>>
    tpu.wait_dma2 semaphore(%arg13 : memref<!tpu.dma_semaphore, #tpu.memory_space<semaphore_mem>>) src(%dma_wait3A_93 : memref<4000xf32, #tpu.memory_space<hbm>>) dst(%dma_wait3A_92 : memref<4000xf32, #tpu.memory_space<vmem>>)
    %parallel_loop3A_94 = arith.constant 0 : i32
    %parallel_loop3A_95 = arith.constant 250 : i32
    %parallel_loop3A_96 = arith.constant 1 : i32
    scf.for %parallel_loop3A_97 = %parallel_loop3A_94 to %parallel_loop3A_95 step %parallel_loop3A_96  : i32 {
      %parallel_loop3A_98 = arith.constant 16 : i32
      %parallel_loop3A_99 = arith.muli %parallel_loop3A_97, %parallel_loop3A_98 : i32
      %parallel_loop3A_100 = arith.index_cast %parallel_loop3A_99 : i32 to index
      %parallel_loop3A_101 = tpu.vector_load %arg8[%parallel_loop3A_100] {strides = array<i32>} : memref<8000xi32, #tpu.memory_space<vmem>>, vector<16xi32>,
      %parallel_loop3A_102 = arith.index_cast %parallel_loop3A_99 : i32 to index
      %parallel_loop3A_103 = tpu.vector_load %arg9[%parallel_loop3A_102] {strides = array<i32>} : memref<8000xf32, #tpu.memory_space<vmem>>, vector<16xf32>,
      tpu.vector_store_idx %arg7[%parallel_loop3A_101], %parallel_loop3A_103 {add = true} : memref<100352xf32, #tpu.memory_space<vmem>>[vector<16xi32>], vector<16xf32>,
    } {sc.loop_unroll_factor = 8 : i64, sc.parallel_access}
    "tpu.region"() ({
      %run_scoped3A = tpu.sem_alloc : memref<!tpu.dma_semaphore, #tpu.memory_space<semaphore_mem>>
      %dma_start3A_97 = arith.constant 0 : i32
      %dma_start3A_98 = tpu.memref_slice %arg6[%add3A, %dma_start3A_97] : memref<32x100352xf32, #tpu.memory_space<hbm>> -> memref<1x100352xf32, #tpu.memory_space<hbm>>
      %dma_start3A_99 = tpu.memref_squeeze %dma_start3A_98 : memref<1x100352xf32, #tpu.memory_space<hbm>> -> memref<100352xf32, #tpu.memory_space<hbm>>
      %dma_start3A_100 = arith.constant 0 : i32
      %dma_start3A_101 = tpu.memref_slice %arg6[%add3A, %dma_start3A_100] : memref<32x100352xf32, #tpu.memory_space<hbm>> -> memref<1x100352xf32, #tpu.memory_space<hbm>>
      %dma_start3A_102 = tpu.memref_squeeze %dma_start3A_101 : memref<1x100352xf32, #tpu.memory_space<hbm>> -> memref<100352xf32, #tpu.memory_space<hbm>>
      tpu.enqueue_dma source(%arg7 : memref<100352xf32, #tpu.memory_space<vmem>>) target(%dma_start3A_102 : memref<100352xf32, #tpu.memory_space<hbm>>) target_semaphore(%run_scoped3A : memref<!tpu.dma_semaphore, #tpu.memory_space<semaphore_mem>>)
      %dma_wait3A_103 = arith.constant 0 : i32
      %dma_wait3A_104 = tpu.memref_slice %arg6[%add3A, %dma_wait3A_103] : memref<32x100352xf32, #tpu.memory_space<hbm>> -> memref<1x100352xf32, #tpu.memory_space<hbm>>
      %dma_wait3A_105 = tpu.memref_squeeze %dma_wait3A_104 : memref<1x100352xf32, #tpu.memory_space<hbm>> -> memref<100352xf32, #tpu.memory_space<hbm>>
      %dma_wait3A_106 = arith.constant 0 : i32
      %dma_wait3A_107 = tpu.memref_slice %arg6[%add3A, %dma_wait3A_106] : memref<32x100352xf32, #tpu.memory_space<hbm>> -> memref<1x100352xf32, #tpu.memory_space<hbm>>
      %dma_wait3A_108 = tpu.memref_squeeze %dma_wait3A_107 : memref<1x100352xf32, #tpu.memory_space<hbm>> -> memref<100352xf32, #tpu.memory_space<hbm>>
      tpu.wait_dma2 semaphore(%run_scoped3A : memref<!tpu.dma_semaphore, #tpu.memory_space<semaphore_mem>>) src(%arg7 : memref<100352xf32, #tpu.memory_space<vmem>>) dst(%dma_wait3A_108 : memref<100352xf32, #tpu.memory_space<hbm>>)
      tpu.yield
    }) : () -> ()
    return
  }
}

module attributes {stable_mosaic.version = 14 : i64} {
  func.func @_tc_nodeval_body(%arg0: i32, %arg1: memref<32x7168xf32, #tpu.memory_space<vmem>>, %arg2: memref<7168xf32, #tpu.memory_space<vmem>>, %arg3: memref<7168xf32, #tpu.memory_space<vmem>>) attributes {dimension_semantics = [#tpu.dimension_semantics<arbitrary>], iteration_bounds = array<i64: 14>, scalar_prefetch = 0 : i64, scratch_operands = 0 : i64, tpu.core_type = #tpu.core_type<tc>, window_params = [{transform_indices = @transform_0, window_bounds = array<i64: 32, 7168>}, {transform_indices = @transform_1, window_bounds = array<i64: 7168>}, {transform_indices = @transform_2, window_bounds = array<i64: 7168>}]} {
    %get3A = arith.constant 0 : index
    %get3A_0 = arith.constant 0 : index
    %get3A_1 = vector.load %arg1[%get3A, %get3A_0] : memref<32x7168xf32, #tpu.memory_space<vmem>>, vector<32x7168xf32>
    %reduce_sum3A = arith.constant dense<0.000000e+00> : vector<7168xf32>
    %reduce_sum3A_2 = vector.multi_reduction <add>, %get3A_1, %reduce_sum3A [0] : vector<32x7168xf32> to vector<7168xf32>
    %get3A_3 = arith.constant 0 : index
    %get3A_4 = vector.load %arg2[%get3A_3] : memref<7168xf32, #tpu.memory_space<vmem>>, vector<7168xf32>
    %add3A = arith.addf %reduce_sum3A_2, %get3A_4 : vector<7168xf32>
    %swap3A = arith.constant 0 : index
    %swap3A_5 = vector.load %arg3[%swap3A] : memref<7168xf32, #tpu.memory_space<vmem>>, vector<7168xf32>
    tpu.vector_store %arg3[%swap3A], %add3A {strides = array<i32>} : memref<7168xf32, #tpu.memory_space<vmem>>, vector<7168xf32>,
    return
  }
  func.func @transform_0(%arg0: i32) -> (i32, i32) {
    %c0_i32 = arith.constant 0 : i32
    %c0_i32_0 = arith.constant 0 : i32
    return %c0_i32, %arg0 : i32, i32
  }
  func.func @transform_1(%arg0: i32) -> i32 {
    %c0_i32 = arith.constant 0 : i32
    return %arg0 : i32
  }
  func.func @transform_2(%arg0: i32) -> i32 {
    %c0_i32 = arith.constant 0 : i32
    return %arg0 : i32
  }
}

module attributes {stable_mosaic.version = 14 : i64} {
  func.func @_tc_finish_body(%arg0: i32, %arg1: memref<32x7168xf32, #tpu.memory_space<vmem>>, %arg2: memref<7168xf32, #tpu.memory_space<vmem>>, %arg3: memref<7168xf32, #tpu.memory_space<vmem>>) attributes {dimension_semantics = [#tpu.dimension_semantics<arbitrary>], iteration_bounds = array<i64: 14>, scalar_prefetch = 0 : i64, scratch_operands = 0 : i64, tpu.core_type = #tpu.core_type<tc>, window_params = [{transform_indices = @transform_0, window_bounds = array<i64: 32, 7168>}, {transform_indices = @transform_1, window_bounds = array<i64: 7168>}, {transform_indices = @transform_2, window_bounds = array<i64: 7168>}]} {
    %get3A = arith.constant 0 : index
    %get3A_0 = arith.constant 0 : index
    %get3A_1 = vector.load %arg1[%get3A, %get3A_0] : memref<32x7168xf32, #tpu.memory_space<vmem>>, vector<32x7168xf32>
    %reduce_sum3A = arith.constant dense<0.000000e+00> : vector<7168xf32>
    %reduce_sum3A_2 = vector.multi_reduction <add>, %get3A_1, %reduce_sum3A [0] : vector<32x7168xf32> to vector<7168xf32>
    %get3A_3 = arith.constant 0 : index
    %get3A_4 = vector.load %arg2[%get3A_3] : memref<7168xf32, #tpu.memory_space<vmem>>, vector<7168xf32>
    %mul3A = arith.mulf %reduce_sum3A_2, %get3A_4 : vector<7168xf32>
    %swap3A = arith.constant 0 : index
    %swap3A_5 = vector.load %arg3[%swap3A] : memref<7168xf32, #tpu.memory_space<vmem>>, vector<7168xf32>
    tpu.vector_store %arg3[%swap3A], %mul3A {strides = array<i32>} : memref<7168xf32, #tpu.memory_space<vmem>>, vector<7168xf32>,
    return
  }
  func.func @transform_0(%arg0: i32) -> (i32, i32) {
    %c0_i32 = arith.constant 0 : i32
    %c0_i32_0 = arith.constant 0 : i32
    return %c0_i32, %arg0 : i32, i32
  }
  func.func @transform_1(%arg0: i32) -> i32 {
    %c0_i32 = arith.constant 0 : i32
    return %arg0 : i32
  }
  func.func @transform_2(%arg0: i32) -> i32 {
    %c0_i32 = arith.constant 0 : i32
    return %arg0 : i32
  }
}

</mosaic_0001>

<sc_bundles>
// kernel: kernel.6.cloned.1.call-start
scs
__scs_entry_jumppad:
0x0: {  	(pc) =	sbr.rel $0x88, $3  }
0x1: {  	(tag) =	ssettag $0x0;
	lr =	simm.s32 $0x1  }
0x2: {  	[smem:$0x3F9C] =	sst lr;
	_ =	strace $0xD0000000  }
0x3: {  	_ = 	snop  }
0x4: {  	_ = 	snop  }
0x5: {  	_ = 	snop  }
0x6: {  	_ = 	snop  }
0x7: {  	_ = 	snop  }
__scs_overlays_trampoline_lowered:
0x8: {  	[smem:$0x3FAB] =	sst s0  }
0x9: {  	[smem:$0x3FAC] =	sst s1  }
0xa: {  	[smem:$0x3FAD] =	sst s2  }
0xb: {  	[smem:$0x3FAE] =	sst s3  }
0xc: {  	[smem:$0x3FAF] =	sst s4  }
0xd: {  	[smem:$0x3FB0] =	sst s5  }
0xe: {  	[smem:$0x3FB1] =	sst s6  }
0xf: {  	[smem:$0x3FB2] =	sst s7  }
0x10: {  	[smem:$0x3FB3] =	sst s8  }
0x11: {  	[smem:$0x3FB4] =	sst s9;
	s0 =	simm.s32 @!p0 $0x0  }
0x12: {  	s1 =	sld [smem:$0x3F9A];
	s0 =	simm.s32 @p0 $0x1  }
0x13: {  	[smem:$0x3FB5] =	sst s0;
	s0 =	simm.s32 @!p1 $0x0  }
0x14: {  	s2 =	sld [smem:$0x3F99];
	s0 =	simm.s32 @p1 $0x1  }
0x15: {  	[smem:$0x3FB6] =	sst s0;
	s0 =	simm.s32 @!p2 $0x0  }
0x16: {  	s3 =	sld [smem:$0x3FDB];
	s0 =	simm.s32 @p2 $0x1  }
0x17: {  	s4 =	simm.s32 $0x1BF5;
	[smem:$0x3FB8] =	sst s0  }
0x18: {  	s0 =	sld [smem:$0x3F9B];
	_ =	swait.ge [sflag:s4], $0x0  }
0x19: {  	s7 =	sld [smem:$0x3F9C]  }
0x1a: {  	s8 =	sadd.s32 $0xFFFFE003, lr  }
0x1b: {  	s9 =	sadd.s32 $0xFFFFFEF7, lr;
	s5 =	simm.s32 $0xFFFFFFFF;
	p2 =	slt.u32 s8, $0xFFFFF086  }
0x1c: {  	p1 =	slt.u32 s9, $0xF7A;
	s5 =	simm.s32 @!p2 $0x0  }
0x1d: {  	s5 =	simm.s32 @p1 $0x1;
	p0 =	seq.s32 s7, s2  }
0x1e: {  	s7 =	smul.u32 @!p0 $0xF7A, s2;
	p2 =	seq.s32 @!p0 s5, $0x0  }
0x1f: {  	s9 =	smul.u32 $0xF7A, s1;
	s8 =	simm.s32 @!p0 $0x1BF5;
	p2 =	por !p2, p0  }
0x20: {  	[sflag:s8] =	ssyncset.s32 @!p0 $0xFFFFF086;
	s6 =	sadd.s32 @!p0 s3, s7;
	s7 =	simm.s32 @!p0 $0x108  }
0x21: {  	s3 =	sadd.s32 s3, s9;
	s6 =	sadd.s32 @!p0 $0x88, s6;
	s7 =	simm.s32 @p2 $0x1082  }
0x22: {  	[simem:s7], [sflag:s8] =	dma.local @!p0 [hbm:s6], $0xF7A  }
0x23: {  	s9 =	sor.u32 $0xD0000000, s2;
	s6 =	simm.s32 $0x108;
	_ =	swait.ge @!p0 [sflag:s8], $0x0  }
0x24: {  	s3 =	sadd.s32 $0x88, s3;
	s6 =	simm.s32 @!p1 $0x1082;
	[sflag:s4] =	ssyncset.s32 $0xFFFFF086  }
0x25: {  	[simem:s6], [sflag:s4] =	dma.local [hbm:s3], $0xF7A  }
0x26: {  	[smem:$0x3F9C] =	sst s1;
	(tag) =	ssettag s2;
	_ =	strace s9  }
0x27: {  	s1 =	sld [smem:$0x3FAC]  }
0x28: {  	s2 =	sld [smem:$0x3FAD]  }
0x29: {  	s4 =	sld [smem:$0x3FAF]  }
0x2a: {  	p0 =	seq.s32 s5, $0x0;
	s5 =	sld [smem:$0x3FB0]  }
0x2b: {  	s6 =	sld [smem:$0x3FB1]  }
0x2c: {  	s7 =	sld [smem:$0x3FB2]  }
0x2d: {  	s3 =	simm.s32 $0x108;
	s8 =	sld [smem:$0x3FB3]  }
0x2e: {  	s3 =	simm.s32 @!p0 $0x1082;
	s9 =	sld [smem:$0x3FB4]  }
0x2f: {  	lr =	sadd.s32 s0, s3;
	s0 =	sld [smem:$0x3FAB]  }
0x30: {  	s3 =	sld [smem:$0x3FAE]  }
0x31: {  	[smem:$0x3FB7] =	sst s10  }
0x32: {  	s10 =	sld [smem:$0x3FB5];
	_ =	sdelay $0x3  }
0x33: {  	p0 =	seq.s32 s10, $0x1;
	s10 =	sld [smem:$0x3FB7];
	_ =	sdelay $0x3  }
0x34: {  	[smem:$0x3FB7] =	sst s10  }
0x35: {  	s10 =	sld [smem:$0x3FB6];
	_ =	sdelay $0x3  }
0x36: {  	p1 =	seq.s32 s10, $0x1;
	s10 =	sld [smem:$0x3FB7];
	_ =	sdelay $0x3  }
0x37: {  	[smem:$0x3FB7] =	sst s10  }
0x38: {  	s10 =	sld [smem:$0x3FB8]  }
0x39: {  	_ = 	snop;
	(pc) =	sbr.ind lr, $3  }
0x3a: {  	_ = 	snop  }
0x3b: {  	_ = 	snop  }
0x3c: {  	p2 =	seq.s32 s10, $0x1;
	s10 =	sld [smem:$0x3FB7]  }
0x3d: {  	_ =	shalt  }
0x3e: {  	_ =	shalt  }
0x3f: {  	_ =	shalt  }
0x40: {  	_ =	shalt  }
0x41: {  	_ =	shalt  }
0x42: {  	_ =	shalt  }
0x43: {  	_ =	shalt  }
0x44: {  	_ =	shalt  }
0x45: {  	_ =	shalt  }
0x46: {  	_ =	shalt  }
0x47: {  	_ =	shalt  }
0x48: {  	_ =	shalt  }
0x49: {  	_ =	shalt  }
0x4a: {  	_ =	shalt  }
0x4b: {  	_ =	shalt  }
0x4c: {  	_ =	shalt  }
0x4d: {  	_ =	shalt  }
0x4e: {  	_ =	shalt  }
0x4f: {  	_ =	shalt  }
0x50: {  	_ =	shalt  }
0x51: {  	_ =	shalt  }
0x52: {  	_ =	shalt  }
0x53: {  	_ =	shalt  }
0x54: {  	_ =	shalt  }
0x55: {  	_ =	shalt  }
0x56: {  	_ =	shalt  }
0x57: {  	_ =	shalt  }
0x58: {  	_ =	shalt  }
0x59: {  	_ =	shalt  }
0x5a: {  	_ =	shalt  }
0x5b: {  	_ =	shalt  }
0x5c: {  	_ =	shalt  }
0x5d: {  	_ =	shalt  }
0x5e: {  	_ =	shalt  }
0x5f: {  	_ =	shalt  }
0x60: {  	_ =	shalt  }
0x61: {  	_ =	shalt  }
0x62: {  	_ =	shalt  }
0x63: {  	_ =	shalt  }
0x64: {  	_ =	shalt  }
0x65: {  	_ =	shalt  }
0x66: {  	_ =	shalt  }
0x67: {  	_ =	shalt  }
0x68: {  	_ =	shalt  }
0x69: {  	_ =	shalt  }
0x6a: {  	_ =	shalt  }
0x6b: {  	_ =	shalt  }
0x6c: {  	_ =	shalt  }
0x6d: {  	_ =	shalt  }
0x6e: {  	_ =	shalt  }
0x6f: {  	_ =	shalt  }
0x70: {  	_ =	shalt  }
0x71: {  	_ =	shalt  }
0x72: {  	_ =	shalt  }
0x73: {  	_ =	shalt  }
0x74: {  	_ =	shalt  }
0x75: {  	_ =	shalt  }
0x76: {  	_ =	shalt  }
0x77: {  	_ =	shalt  }
0x78: {  	_ =	shalt  }
0x79: {  	_ =	shalt  }
0x7a: {  	_ =	shalt  }
0x7b: {  	_ =	shalt  }
0x7c: {  	_ =	shalt  }
0x7d: {  	_ =	shalt  }
0x7e: {  	_ =	shalt  }
0x7f: {  	_ =	shalt  }
0x80: {  	_ =	shalt  }
0x81: {  	_ =	shalt  }
0x82: {  	_ =	shalt  }
0x83: {  	_ =	shalt  }
0x84: {  	_ =	shalt  }
0x85: {  	_ =	shalt  }
0x86: {  	_ =	shalt  }
0x87: {  	_ =	shalt  }
.Lfunc_end0:
.L_simem_size_0:
called_computation_lowered:
.L_overlay_start_0:
0x88: {  	s2 =	sld [smem:$0x3FD9]  }
0x89: {  	s3 =	sld [smem:$0x3FFE];
	_ =	sdelay $0x1  }
0x8a: {  	s1 =	srdreg.scid  }
0x8b: {  	s0 =	sand.u32 $0x1, s1  }
0x8c: {  	s17 =	sshll.u32 s0, $0xA;
	s2 =	sadd.s32 s3, s2  }
0x8d: {  	s2 =	sadd.s32 s2, s17  }
0x8e: {  	[smem:$0x3FC3] =	sst s2  }
0x8f: {  	_ = 	snop  }
0x90: {  	s2 =	sld [smem:$0x3FC6]  }
0x91: {  	s18 =	sld [smem:$0x3FD0];
	(tm) =	ssettm $0x1  }
0x92: {  	s4 =	sld [smem:$0x3FFB];
	_ =	sdelay $0x3  }
0x93: {  	_ =	strace s4  }
0x94: {  	s4 =	sld [smem:$0x3FFC];
	_ =	sdelay $0x3  }
0x95: {  	_ =	strace s4  }
0x96: {  	s4 =	sld [smem:$0x3FFD];
	_ =	sdelay $0x3  }
0x97: {  	_ =	strace s4  }
0x98: {  	_ =	strace $0x8FFFFFFF  }
0x99: {  	s19 =	sld [smem:$0x3FDB];
	_ =	sdelay $0x1  }
0x9a: {  	s5 =	simm.s32 $_scs_section_size  }
0x9b: {  	s6 =	simm.s32 $_size__tile_overlayer_lowered;
	s7 =	simm.s32 $_tile_overlayer_lowered  }
0x9c: {  	s22 =	simm.s32 $0x1BFF;
	s21 =	sshll.u32 s7, $0x1;
	s4 =	sadd.s32 s5, s19  }
0x9d: {  	s8 =	simm.s32 $0x0;
	s20 =	sshll.u32 s6, $0x1;
	s6 =	sadd.s32 s21, s4  }
0x9e: {  	[timem:s8], [sflag:s22] =	dma.local [hbm:s6], s20  }
0x9f: {  	_ =	swait.ge [sflag:s22], s20  }
0xa0: {  	s5 =	ssub.s32 $0x0, s20;
	[sflag:s22] =	ssyncset.done $0x0  }
0xa1: {  	[sflag:s22] =	ssyncadd.s32 s5;
	_ =	sdelay $0x1  }
0xa2: {  	s23 =	simm.s32 $0x1B8B  }
0xa3: {  	_ =	swait.ge [sflag:s23], $0x1  }
0xa4: {  	[sflag:s23] =	ssyncset.done $0x0  }
0xa5: {  	s25 =	simm.s32 $0x1B8E;
	s24 =	sld [smem:$0x3FFE];
	[sflag:s23] =	ssyncadd.s32 $0xFFFFFFFF  }
0xa6: {  	s26 =	simm.s32 $execute0_lowered;
	[smem:$0x3FD2] =	sst s25  }
0xa7: {  	s6 =	sshll.u32 s26, $0x1;
	_ =	strace $0x80000046;
	[dreg:$0x1] =	wrdreg $0xFFFFFFFF  }
0xa8: {  	s28 =	simm.s32 $_size_execute0_lowered;
	s4 =	sadd.s32 s4, s6;
	[dreg:$0x0] =	wrdreg $0x0  }
0xa9: {  	s6 =	sshll.u32 s28, $0x1;
	[dreg:$0x2] =	wrdreg s4  }
0xaa: {  	[dreg:$0x3] =	wrdreg s6  }
0xab: {  	[dreg:$0x4] =	wrdreg $0xC0  }
0xac: {  	_ =	task [dreg:s8], $0x5FFFF  }
0xad: {  	[dreg:$0x1] =	wrdreg $0xFFFFFFFF  }
0xae: {  	[dreg:$0x0] =	wrdreg $0x60  }
0xaf: {  	[dreg:$0x2] =	wrdreg s18  }
0xb0: {  	[dreg:$0x3] =	wrdreg s24  }
0xb1: {  	[dreg:$0x4] =	wrdreg s2  }
0xb2: {  	[dreg:$0x5] =	wrdreg $0x9  }
0xb3: {  	_ =	task.clear_ibuf [dreg:s8], $0x6FFFF;
	_ =	strace $0x90000046  }
0xb4: {  	s29 =	simm.s32 $0x9;
	_ =	strace $0x80000048  }
0xb5: {  	_ =	swait.ge [sflag:s29], $0x1  }
0xb6: {  	[sflag:s29] =	ssyncadd.s32 $0xFFFFFFFF  }
0xb7: {  	_ =	strace $0x90000048  }
0xb8: {  	_ =	sfence  }
0xb9: {  	s30 =	sld [smem:$0x0];
	_ =	sdelay $0x2  }
0xba: {  	s31 =	sshll.u32 s1, $0xD;
	s1 =	sshrl.u32 s1, $0x2  }
0xbb: {  	s3 =	sand.u32 $0x4000, s31;
	s1 =	sadd.s32 s1, s30  }
0xbc: {  	s0 =	sor.u32 s3, s0;
	s1 =	sshll.u32 s1, $0x11  }
0xbd: {  	s0 =	sor.u32 s1, s0  }
0xbe: {  	s0 =	sadd.s32 $0x8F2B, s0  }
0xbf: {  	[sflag:s0] =	ssyncadd.remote.s32 $0x1  }
0xc0: {  	_ =	sfence.sel $0xFFFF  }
0xc1: {  	[dreg:$0x0] =	wrdreg $0xFFFFFFFF;
	(pc) =	sbr.abs _section_cstart, $3  }
0xc2: {  	[dreg:$0x1] =	wrdreg $0xFFFFFFFF  }
0xc3: {  	_ =	task.clear_ibuf [dreg:s8], $0x2FFFF;
	_ =	strace $0x9FFFFFFF  }
0xc4: {  	(tm) =	ssettm $0x7FFFFFFF  }
0xc5: {  	_ =	shalt  }
tec
execute0_lowered:
.L_overlay_start_1:
0x0: {  	(tag) =	ssettag $0x1  }
0x1: {  	s0 =	rddreg [dreg:$0x1]  }
0x2: {  	s3 =	rddreg [dreg:$0x2];
	s4 =	simm.s32 $0x0;
	s1 =	srdreg.scid  }
0x3: {  	s5 =	stileid.u32;
	s18 =	simm.s32 $0x7;
	s28 =	simm.s32 $0x4  }
0x4: {  	s29 =	simm.s32 $0x1D6A0;
	s30 =	simm.s32 $0x5;
	s31 =	simm.s32 $0x6  }
0x5: {  	[smem:$0x7FF] =	sst s4;
	s1 =	sand.u32 $0x1, s1;
	s2 =	sshll.u32 s5, $0x1  }
0x6: {  	s6 =	sshrl.u32 s5, $0x2;
	s5 =	sadd.s32 $0x62C00, s0;
	s8 =	sadd.s32 $0xC4800, s0  }
0x7: {  	_ =	strace $0x80000047;
	s2 =	sor.u32 s1, s2;
	s9 =	smul.u32 $0xC4000, s6  }
0x8: {  	s6 =	sadd.s32 $0x1000, s0;
	s1 =	ssub.s32 $0x2, s1;
	s7 =	sshll.u32 s2, $0x7  }
0x9: {  	s20 =	sshrl.u32 s1, $0x1;
	s10 =	sand.u32 $0x380, s7;
	s7 =	smul.u32 $0x186A0, s2  }
0xa: {  	s1 =	ssub.s32 s1, s20;
	s20 =	simm.s32 $0x1A780;
	s19 =	sor.u32 s9, s10  }
0xb: {  	s26 =	smax.u32 s1, $0x1;
	s1 =	simm.s32 $0x0;
	s2 =	sshrl.u32 s19, $0x3  }
0xc: {  	s21 =	sshrl.u32 s7, $0x3;
	s11 =	sadd.s32 $0x1F40, s7;
	s15 =	sadd.s32 $0xFA0, s7  }
0xd: {  	[dreg:$0xa] =	wrdreg s26;
	s19 =	simm.s32 $0x18800;
	s22 =	sadd.s32 s6, s21  }
0xe: {  	s26 =	simm.s32 $0x2;
	s23 =	sadd.s32 s3, s21;
	[dreg:$0x4] =	wrdreg s22  }
0xf: {  	s0 =	sadd.s32 s2, s0;
	s24 =	sadd.s32 s8, s21;
	[dreg:$0x5] =	wrdreg s23  }
0x10: {  	s25 =	sadd.s32 s5, s21;
	s21 =	simm.s32 $0x197A0;
	[dreg:$0x6] =	wrdreg s24  }
0x11: {  	s2 =	sadd.s32 $0x2EE0, s24;
	[dreg:$0x8] =	wrdreg s25;
	s0 =	sadd.s32 $0x126400, s0  }
0x12: {  	s22 =	simm.s32 $0x1B720;
	s23 =	simm.s32 $0x1;
	[dreg:$0x7] =	wrdreg s2  }
0x13: {  	v0 =	vimm.f32 $0.0e+00;
	s24 =	simm.s32 $0x3;
	s25 =	simm.s32 $0x1C700;
	[dreg:$0x9] =	wrdreg s0  }
.LBB2_1:
0x14: {  	s0 =	rddreg [dreg:$0x0]  }
0x15: {  	[tilespmem:s4], [sflag:$0x7] =	stream.linear.gather [hbm4b:s0+s4], $0x18800, $0x38;
	[tilespmem:$0x1E680] =	vst v63  }
0x16: {  	_ =	swait.ge [sflag:s18], $0x18800  }
0x17: {  	[sflag:s18] =	ssyncset.done $0x0  }
0x18: {  	s16 =	rddreg [dreg:$0x4];
	[sflag:s18] =	ssyncadd.s32 $0xFFFE7800  }
0x19: {  	[tilespmem:s19], [sflag:$0x1] =	stream.linear.gather [hbm4b:s16+s4], $0xFA0, $0x38;
	[tilespmem:$0x1E680] =	vst v63  }
0x1a: {  	s0 =	simm.s32 $0x0;
	s17 =	rddreg [dreg:$0x5]  }
0x1b: {  	[tilespmem:s20], [sflag:$0x3] =	stream.linear.gather [hbm4b:s17+s4], $0xFA0, $0x38;
	[tilespmem:$0x1E680] =	vst v63  }
.LBB2_2:
0x1c: {  	s9 =	smul.u32 $0x1F40, s0;
	_ =	sdelay $0x1  }
0x1d: {  	s2 =	sadd.s32 s15, s9  }
0x1e: {  	s2 =	sshrl.u32 s2, $0x3  }
0x1f: {  	s10 =	sadd.s32 s6, s2  }
0x20: {  	[tilespmem:s21], [sflag:$0x2] =	stream.linear.gather [hbm4b:s10+s4], $0xFA0, $0x38;
	[tilespmem:$0x1E680] =	vst v63  }
0x21: {  	s16 =	sadd.s32 s3, s2  }
0x22: {  	[tilespmem:s22], [sflag:$0x4] =	stream.linear.gather [hbm4b:s16+s4], $0xFA0, $0x38;
	[tilespmem:$0x1E680] =	vst v63  }
0x23: {  	_ =	swait.ge [sflag:s23], $0xFA0  }
0x24: {  	[sflag:s23] =	ssyncset.done $0x0  }
0x25: {  	[sflag:s23] =	ssyncadd.s32 $0xFFFFF060  }
0x26: {  	_ =	swait.ge [sflag:s24], $0xFA0  }
0x27: {  	p0 =	seq.s32 s0, $0x0;
	[sflag:s24] =	ssyncset.done $0x0  }
0x28: {  	s10 =	simm.s32 @!p0 $0x5;
	[sflag:s24] =	ssyncadd.s32 $0xFFFFF060  }
0x29: {  	_ =	swait.ge @!p0 [sflag:s10], $0xFA0  }
0x2a: {  	[sflag:s10] =	ssyncset.done @!p0 $0x0  }
0x2b: {  	s17 =	simm.s32 $0x18840;
	[sflag:s10] =	ssyncadd.s32 @!p0 $0xFFFFF060  }
0x2c: {  	v1 =	vld [tilespmem:s17+$0x30]  }
0x2d: {  	v2 =	vld [tilespmem:s17+$0xFFFFFFD0]  }
0x2e: {  	v3 =	vld [tilespmem:s17+$0xFFFFFFE0]  }
0x2f: {  	v4 =	vld [tilespmem:s17+$0xFFFFFFF0]  }
0x30: {  	v6 =	vld [tilespmem:s17+$0x0]  }
0x31: {  	v7 =	vld [tilespmem:s17+$0x10]  }
0x32: {  	v8 =	vld [tilespmem:s17+$0x20]  }
0x33: {  	s14 =	simm.s32 $0x1A7C0;
	v9 =	vld [tilespmem:s17+$0xFFFFFFC0]  }
0x34: {  	v12 =	vld [tilespmem:s14+$0x30]  }
0x35: {  	v14 =	vld [tilespmem:s14+$0xFFFFFFC0]  }
0x36: {  	v15 =	vld [tilespmem:s14+$0xFFFFFFD0]  }
0x37: {  	s10 =	simm.s32 $0x0;
	v10 =	vld [tilespmem:s14+$0xFFFFFFE0]  }
0x38: {  	v11 =	vld.idx.msk [tilespmem:v1+s10+$0x0], $0xffff  }
0x39: {  	v13 =	vld.idx.msk [tilespmem:v2+s10+$0x0], $0xffff  }
0x3a: {  	v5 =	vld.idx.msk [tilespmem:v3+s10+$0x0], $0xffff  }
0x3b: {  	v4 =	vld.idx.msk [tilespmem:v4+s10+$0x0], $0xffff  }
0x3c: {  	v3 =	vld.idx.msk [tilespmem:v6+s10+$0x0], $0xffff  }
0x3d: {  	v9 =	vld.idx.msk [tilespmem:v9+s10+$0x0], $0xffff  }
0x3e: {  	v1 =	vld.idx.msk [tilespmem:v7+s10+$0x0], $0xffff  }
0x3f: {  	v2 =	vld.idx.msk [tilespmem:v8+s10+$0x0], $0xffff  }
0x40: {  	v8 =	vld [tilespmem:s14+$0xFFFFFFF0]  }
0x41: {  	v7 =	vld [tilespmem:s14+$0x0];
	v11 =	vmul.f32 v12, v11  }
0x42: {  	s16 =	simm.s32 $0x1C740;
	v6 =	vld [tilespmem:s14+$0x10];
	v12 =	vmul.f32 v14, v9  }
0x43: {  	s12 =	simm.s32 $0x188C0;
	s13 =	sadd.s32 s7, s9;
	s17 =	simm.s32 $0x0;
	v9 =	vld [tilespmem:s14+$0x20];
	[tilespmem:s16+$0x30] =	vst v11;
	v11 =	vmul.f32 v15, v13  }
.LBB2_3:
0x44: {  	v13 =	vld [tilespmem:s12+$0x30];
	s17 =	sadd.s32 $0x8, s17;
	[tilespmem:s16+$0xFFFFFFC0] =	vst v12;
	v5 =	vmul.f32 v10, v5  }
0x45: {  	v10 =	vld [tilespmem:s12+$0xFFFFFFD0];
	p1 =	slt.u32 s17, $0xF0;
	[tilespmem:s16+$0xFFFFFFD0] =	vst v11;
	v4 =	vmul.f32 v8, v4  }
0x46: {  	v8 =	vld [tilespmem:s12+$0xFFFFFFE0];
	[tilespmem:s16+$0xFFFFFFE0] =	vst v5;
	v3 =	vmul.f32 v7, v3  }
0x47: {  	v7 =	vld [tilespmem:s12+$0xFFFFFFF0];
	[tilespmem:s16+$0xFFFFFFF0] =	vst v4;
	v1 =	vmul.f32 v6, v1  }
0x48: {  	v6 =	vld [tilespmem:s12+$0x0];
	[tilespmem:s16+$0x0] =	vst v3;
	v2 =	vmul.f32 v9, v2  }
0x49: {  	v9 =	vld [tilespmem:s12+$0x10];
	[tilespmem:s16+$0x10] =	vst v1  }
0x4a: {  	v11 =	vld [tilespmem:s12+$0x20];
	[tilespmem:s16+$0x20] =	vst v2  }
0x4b: {  	v2 =	vld [tilespmem:s12+$0xFFFFFFC0]  }
0x4c: {  	s14 =	sadd.s32 $0x80, s14;
	v12 =	vld.idx.msk [tilespmem:v13+s10+$0x0], $0xffff  }
0x4d: {  	v13 =	vld [tilespmem:s14+$0x30]  }
0x4e: {  	v14 =	vld.idx.msk [tilespmem:v10+s10+$0x0], $0xffff  }
0x4f: {  	v5 =	vld.idx.msk [tilespmem:v8+s10+$0x0], $0xffff  }
0x50: {  	v4 =	vld.idx.msk [tilespmem:v7+s10+$0x0], $0xffff  }
0x51: {  	v3 =	vld.idx.msk [tilespmem:v6+s10+$0x0], $0xffff  }
0x52: {  	v1 =	vld.idx.msk [tilespmem:v9+s10+$0x0], $0xffff;
	v6 =	vmul.f32 v13, v12  }
0x53: {  	s16 =	sadd.s32 $0x80, s16;
	v9 =	vld.idx.msk [tilespmem:v2+s10+$0x0], $0xffff  }
0x54: {  	v2 =	vld.idx.msk [tilespmem:v11+s10+$0x0], $0xffff;
	[tilespmem:s16+$0x30] =	vst v6  }
0x55: {  	v6 =	vld [tilespmem:s14+$0xFFFFFFC0]  }
0x56: {  	v11 =	vld [tilespmem:s14+$0xFFFFFFD0]  }
.Ltmp0:
0x57: {  	v10 =	vld [tilespmem:s14+$0xFFFFFFE0];
	(pc) =	sbr.rel @p1 .LBB2_3-.Ltmp0, $4  }
0x58: {  	v8 =	vld [tilespmem:s14+$0xFFFFFFF0]  }
0x59: {  	v7 =	vld [tilespmem:s14+$0x0]  }
0x5a: {  	v12 =	vmul.f32 v6, v9;
	v6 =	vld [tilespmem:s14+$0x10]  }
0x5b: {  	s12 =	sadd.s32 $0x80, s12;
	v11 =	vmul.f32 v11, v14;
	v9 =	vld [tilespmem:s14+$0x20]  }
0x5c: {  	[tilespmem:s16+$0xFFFFFFC0] =	vst v12;
	v5 =	vmul.f32 v10, v5  }
0x5d: {  	[tilespmem:s16+$0xFFFFFFD0] =	vst v11;
	v4 =	vmul.f32 v8, v4  }
0x5e: {  	[tilespmem:s16+$0xFFFFFFE0] =	vst v5;
	v3 =	vmul.f32 v7, v3  }
0x5f: {  	[tilespmem:s16+$0xFFFFFFF0] =	vst v4;
	v1 =	vmul.f32 v6, v1  }
0x60: {  	[tilespmem:s16+$0x0] =	vst v3;
	v2 =	vmul.f32 v9, v2  }
0x61: {  	[tilespmem:s16+$0x10] =	vst v1  }
0x62: {  	[tilespmem:s16+$0x20] =	vst v2  }
.LBB2_5:
0x63: {  	s12 =	sshra.s32 s10, $0x2  }
0x64: {  	v1 =	vld [tilespmem:s12+$0x19780];
	_ =	sdelay $0x6  }
0x65: {  	v2 =	vld [tilespmem:s12+$0x1B700]  }
0x66: {  	v1 =	vld.idx.msk [tilespmem:v1+s4+$0x0], $0xffff;
	_ =	sdelay $0x1  }
0x67: {  	p1 =	sne.s32 s10, $0x40  }
.Ltmp1:
0x68: {  	_ = 	snop;
	(pc) =	sbr.rel @p1 .LBB2_5-.Ltmp1, $3  }
0x69: {  	_ = 	snop  }
0x6a: {  	v1 =	vmul.f32 v2, v1;
	_ =	sdelay $0x1  }
0x6b: {  	s10 =	sadd.s32 $0x40, s10;
	[tilespmem:s12+$0x1D680] =	vst v1  }
0x6c: {  	s10 =	sshrl.u32 s13, $0x3;
	s9 =	sadd.s32 s9, s11  }
0x6d: {  	s10 =	sadd.s32 s8, s10;
	s9 =	sshrl.u32 s9, $0x3  }
0x6e: {  	[hbm4b:s10+s4] =	stream.linear.scatter [tilespmem:s25], [sflag:$0x5], $0xFA0, $0x38;
	[tilespmem:$0x1E680] =	vst v63  }
0x6f: {  	s16 =	sadd.s32 s6, s9  }
0x70: {  	[tilespmem:s19], [sflag:$0x1] =	stream.linear.gather [hbm4b:s16+s4], $0xFA0, $0x38;
	[tilespmem:$0x1E680] =	vst v63  }
0x71: {  	s9 =	sadd.s32 s3, s9  }
0x72: {  	[tilespmem:s20], [sflag:$0x3] =	stream.linear.gather [hbm4b:s9+s4], $0xFA0, $0x38;
	[tilespmem:$0x1E680] =	vst v63  }
0x73: {  	_ =	swait.ge [sflag:s26], $0xFA0  }
0x74: {  	[sflag:s26] =	ssyncset.done $0x0  }
0x75: {  	[sflag:s26] =	ssyncadd.s32 $0xFFFFF060  }
0x76: {  	_ =	swait.ge [sflag:s28], $0xFA0  }
0x77: {  	[sflag:s28] =	ssyncset.done $0x0  }
0x78: {  	s9 =	simm.s32 @!p0 $0x6;
	[sflag:s28] =	ssyncadd.s32 $0xFFFFF060  }
0x79: {  	_ =	swait.ge @!p0 [sflag:s9], $0xFA0  }
0x7a: {  	[sflag:s9] =	ssyncset.done @!p0 $0x0  }
0x7b: {  	s17 =	simm.s32 $0x19810;
	[sflag:s9] =	ssyncadd.s32 @!p0 $0xFFFFF060  }
0x7c: {  	v1 =	vld [tilespmem:s17+$0x0]  }
0x7d: {  	v2 =	vld [tilespmem:s17+$0xFFFFFFA0]  }
0x7e: {  	v3 =	vld [tilespmem:s17+$0xFFFFFFB0]  }
0x7f: {  	v4 =	vld [tilespmem:s17+$0xFFFFFFC0]  }
0x80: {  	v6 =	vld [tilespmem:s17+$0xFFFFFFD0]  }
0x81: {  	v7 =	vld [tilespmem:s17+$0xFFFFFFE0]  }
0x82: {  	v8 =	vld [tilespmem:s17+$0xFFFFFFF0]  }
0x83: {  	s10 =	simm.s32 $0x1B790;
	v9 =	vld [tilespmem:s17+$0xFFFFFF90]  }
0x84: {  	v12 =	vld [tilespmem:s10+$0x0]  }
0x85: {  	v15 =	vld [tilespmem:s10+$0xFFFFFFA0]  }
0x86: {  	s9 =	simm.s32 $0x0;
	v10 =	vld [tilespmem:s10+$0xFFFFFFB0]  }
0x87: {  	v11 =	vld.idx.msk [tilespmem:v1+s9+$0x0], $0xffff  }
0x88: {  	v13 =	vld.idx.msk [tilespmem:v2+s9+$0x0], $0xffff  }
0x89: {  	v5 =	vld.idx.msk [tilespmem:v3+s9+$0x0], $0xffff  }
0x8a: {  	v4 =	vld.idx.msk [tilespmem:v4+s9+$0x0], $0xffff  }
0x8b: {  	v14 =	vld.idx.msk [tilespmem:v9+s9+$0x0], $0xffff  }
0x8c: {  	v2 =	vld.idx.msk [tilespmem:v8+s9+$0x0], $0xffff  }
0x8d: {  	v8 =	vld [tilespmem:s10+$0xFFFFFF90]  }
0x8e: {  	v3 =	vld.idx.msk [tilespmem:v6+s9+$0x0], $0xffff  }
0x8f: {  	v1 =	vld.idx.msk [tilespmem:v7+s9+$0x0], $0xffff  }
0x90: {  	v9 =	vld [tilespmem:s10+$0xFFFFFFC0]  }
0x91: {  	v7 =	vld [tilespmem:s10+$0xFFFFFFD0];
	v11 =	vmul.f32 v12, v11  }
0x92: {  	s13 =	simm.s32 $0x1D710;
	v6 =	vld [tilespmem:s10+$0xFFFFFFE0];
	v12 =	vmul.f32 v8, v14  }
0x93: {  	s14 =	simm.s32 $0x0;
	s12 =	simm.s32 $0x19890;
	v8 =	vld [tilespmem:s10+$0xFFFFFFF0];
	[tilespmem:s13+$0x0] =	vst v11;
	v11 =	vmul.f32 v15, v13  }
.LBB2_7:
0x94: {  	v13 =	vld [tilespmem:s12+$0x0];
	s14 =	sadd.s32 $0x8, s14;
	[tilespmem:s13+$0xFFFFFF90] =	vst v12;
	v5 =	vmul.f32 v10, v5  }
0x95: {  	v10 =	vld [tilespmem:s12+$0xFFFFFFA0];
	p0 =	slt.u32 s14, $0xF0;
	[tilespmem:s13+$0xFFFFFFA0] =	vst v11;
	v4 =	vmul.f32 v9, v4  }
0x96: {  	v9 =	vld [tilespmem:s12+$0xFFFFFFB0];
	[tilespmem:s13+$0xFFFFFFB0] =	vst v5;
	v3 =	vmul.f32 v7, v3  }
0x97: {  	v7 =	vld [tilespmem:s12+$0xFFFFFFC0];
	[tilespmem:s13+$0xFFFFFFC0] =	vst v4;
	v1 =	vmul.f32 v6, v1  }
0x98: {  	v6 =	vld [tilespmem:s12+$0xFFFFFFD0];
	[tilespmem:s13+$0xFFFFFFD0] =	vst v3;
	v2 =	vmul.f32 v8, v2  }
0x99: {  	v8 =	vld [tilespmem:s12+$0xFFFFFFE0];
	[tilespmem:s13+$0xFFFFFFE0] =	vst v1  }
0x9a: {  	v11 =	vld [tilespmem:s12+$0xFFFFFFF0];
	[tilespmem:s13+$0xFFFFFFF0] =	vst v2  }
0x9b: {  	v2 =	vld [tilespmem:s12+$0xFFFFFF90]  }
0x9c: {  	s10 =	sadd.s32 $0x80, s10;
	v12 =	vld.idx.msk [tilespmem:v13+s9+$0x0], $0xffff  }
0x9d: {  	v13 =	vld [tilespmem:s10+$0x0]  }
0x9e: {  	v14 =	vld.idx.msk [tilespmem:v10+s9+$0x0], $0xffff  }
0x9f: {  	v5 =	vld.idx.msk [tilespmem:v9+s9+$0x0], $0xffff  }
0xa0: {  	v4 =	vld.idx.msk [tilespmem:v7+s9+$0x0], $0xffff  }
0xa1: {  	v3 =	vld.idx.msk [tilespmem:v6+s9+$0x0], $0xffff  }
0xa2: {  	v1 =	vld.idx.msk [tilespmem:v8+s9+$0x0], $0xffff;
	v6 =	vmul.f32 v13, v12  }
0xa3: {  	s13 =	sadd.s32 $0x80, s13;
	v8 =	vld.idx.msk [tilespmem:v2+s9+$0x0], $0xffff  }
0xa4: {  	v2 =	vld.idx.msk [tilespmem:v11+s9+$0x0], $0xffff;
	[tilespmem:s13+$0x0] =	vst v6  }
0xa5: {  	v6 =	vld [tilespmem:s10+$0xFFFFFF90]  }
0xa6: {  	v11 =	vld [tilespmem:s10+$0xFFFFFFA0]  }
.Ltmp2:
0xa7: {  	v10 =	vld [tilespmem:s10+$0xFFFFFFB0];
	(pc) =	sbr.rel @p0 .LBB2_7-.Ltmp2, $4  }
0xa8: {  	v9 =	vld [tilespmem:s10+$0xFFFFFFC0]  }
0xa9: {  	v7 =	vld [tilespmem:s10+$0xFFFFFFD0]  }
0xaa: {  	v12 =	vmul.f32 v6, v8;
	v6 =	vld [tilespmem:s10+$0xFFFFFFE0]  }
0xab: {  	s12 =	sadd.s32 $0x80, s12;
	v11 =	vmul.f32 v11, v14;
	v8 =	vld [tilespmem:s10+$0xFFFFFFF0]  }
0xac: {  	[tilespmem:s13+$0xFFFFFF90] =	vst v12;
	v5 =	vmul.f32 v10, v5  }
0xad: {  	[tilespmem:s13+$0xFFFFFFA0] =	vst v11;
	v4 =	vmul.f32 v9, v4  }
0xae: {  	[tilespmem:s13+$0xFFFFFFB0] =	vst v5;
	v3 =	vmul.f32 v7, v3  }
0xaf: {  	[tilespmem:s13+$0xFFFFFFC0] =	vst v4;
	v1 =	vmul.f32 v6, v1  }
0xb0: {  	[tilespmem:s13+$0xFFFFFFD0] =	vst v3;
	v2 =	vmul.f32 v8, v2  }
0xb1: {  	[tilespmem:s13+$0xFFFFFFE0] =	vst v1  }
0xb2: {  	[tilespmem:s13+$0xFFFFFFF0] =	vst v2  }
.LBB2_9:
0xb3: {  	s10 =	sshra.s32 s9, $0x2  }
0xb4: {  	v1 =	vld [tilespmem:s10+$0x1A720];
	_ =	sdelay $0x6  }
0xb5: {  	v2 =	vld [tilespmem:s10+$0x1C6A0]  }
0xb6: {  	v1 =	vld.idx.msk [tilespmem:v1+s4+$0x0], $0xffff;
	_ =	sdelay $0x1  }
0xb7: {  	p0 =	sne.s32 s9, $0x40  }
.Ltmp3:
0xb8: {  	_ = 	snop;
	(pc) =	sbr.rel @p0 .LBB2_9-.Ltmp3, $3  }
0xb9: {  	_ = 	snop  }
0xba: {  	v1 =	vmul.f32 v2, v1;
	_ =	sdelay $0x1  }
0xbb: {  	s9 =	sadd.s32 $0x40, s9;
	[tilespmem:s10+$0x1E620] =	vst v1  }
0xbc: {  	s0 =	sadd.s32 $0x1, s0  }
0xbd: {  	p0 =	sne.s32 s0, $0xC  }
.Ltmp4:
0xbe: {  	_ = 	snop;
	(pc) =	sbr.rel @p0 .LBB2_2-.Ltmp4, $3  }
0xbf: {  	_ =	sdelay $0x1  }
0xc0: {  	s2 =	sadd.s32 s8, s2  }
0xc1: {  	[hbm4b:s2+s4] =	stream.linear.scatter [tilespmem:s29], [sflag:$0x6], $0xFA0, $0x38;
	[tilespmem:$0x1E680] =	vst v63  }
0xc2: {  	_ =	swait.ge [sflag:s30], $0xFA0  }
0xc3: {  	[sflag:s30] =	ssyncset.done $0x0  }
0xc4: {  	[sflag:s30] =	ssyncadd.s32 $0xFFFFF060  }
0xc5: {  	_ =	swait.ge [sflag:s23], $0xFA0  }
0xc6: {  	[sflag:s23] =	ssyncset.done $0x0  }
0xc7: {  	[sflag:s23] =	ssyncadd.s32 $0xFFFFF060  }
0xc8: {  	_ =	swait.ge [sflag:s24], $0xFA0  }
0xc9: {  	[sflag:s24] =	ssyncset.done $0x0  }
0xca: {  	s0 =	simm.s32 $0x18840;
	[sflag:s24] =	ssyncadd.s32 $0xFFFFF060  }
0xcb: {  	v1 =	vld [tilespmem:s0+$0x30]  }
0xcc: {  	v2 =	vld [tilespmem:s0+$0xFFFFFFD0]  }
0xcd: {  	v3 =	vld [tilespmem:s0+$0xFFFFFFE0]  }
0xce: {  	v4 =	vld [tilespmem:s0+$0xFFFFFFF0]  }
0xcf: {  	v6 =	vld [tilespmem:s0+$0x0]  }
0xd0: {  	v7 =	vld [tilespmem:s0+$0x10]  }
0xd1: {  	v8 =	vld [tilespmem:s0+$0x20]  }
0xd2: {  	s2 =	simm.s32 $0x1A7C0;
	v9 =	vld [tilespmem:s0+$0xFFFFFFC0]  }
0xd3: {  	v12 =	vld [tilespmem:s2+$0x30]  }
0xd4: {  	v15 =	vld [tilespmem:s2+$0xFFFFFFD0]  }
0xd5: {  	s0 =	simm.s32 $0x0;
	v10 =	vld [tilespmem:s2+$0xFFFFFFE0]  }
0xd6: {  	v11 =	vld.idx.msk [tilespmem:v1+s0+$0x0], $0xffff  }
0xd7: {  	v13 =	vld.idx.msk [tilespmem:v2+s0+$0x0], $0xffff  }
0xd8: {  	v5 =	vld.idx.msk [tilespmem:v3+s0+$0x0], $0xffff  }
0xd9: {  	v4 =	vld.idx.msk [tilespmem:v4+s0+$0x0], $0xffff  }
0xda: {  	v14 =	vld.idx.msk [tilespmem:v9+s0+$0x0], $0xffff  }
0xdb: {  	v2 =	vld.idx.msk [tilespmem:v8+s0+$0x0], $0xffff  }
0xdc: {  	v8 =	vld [tilespmem:s2+$0xFFFFFFC0]  }
0xdd: {  	v3 =	vld.idx.msk [tilespmem:v6+s0+$0x0], $0xffff  }
0xde: {  	v1 =	vld.idx.msk [tilespmem:v7+s0+$0x0], $0xffff  }
0xdf: {  	v9 =	vld [tilespmem:s2+$0xFFFFFFF0]  }
0xe0: {  	v7 =	vld [tilespmem:s2+$0x0];
	v11 =	vmul.f32 v12, v11  }
0xe1: {  	s9 =	simm.s32 $0x1C740;
	v6 =	vld [tilespmem:s2+$0x10];
	v12 =	vmul.f32 v8, v14  }
0xe2: {  	s10 =	simm.s32 $0x0;
	s12 =	simm.s32 $0x188C0;
	v8 =	vld [tilespmem:s2+$0x20];
	[tilespmem:s9+$0x30] =	vst v11;
	v11 =	vmul.f32 v15, v13  }
.LBB2_12:
0xe3: {  	v13 =	vld [tilespmem:s12+$0x30];
	s10 =	sadd.s32 $0x8, s10;
	[tilespmem:s9+$0xFFFFFFC0] =	vst v12;
	v5 =	vmul.f32 v10, v5  }
0xe4: {  	v10 =	vld [tilespmem:s12+$0xFFFFFFD0];
	p0 =	slt.u32 s10, $0xF0;
	[tilespmem:s9+$0xFFFFFFD0] =	vst v11;
	v4 =	vmul.f32 v9, v4  }
0xe5: {  	v9 =	vld [tilespmem:s12+$0xFFFFFFE0];
	[tilespmem:s9+$0xFFFFFFE0] =	vst v5;
	v3 =	vmul.f32 v7, v3  }
0xe6: {  	v7 =	vld [tilespmem:s12+$0xFFFFFFF0];
	[tilespmem:s9+$0xFFFFFFF0] =	vst v4;
	v1 =	vmul.f32 v6, v1  }
0xe7: {  	v6 =	vld [tilespmem:s12+$0x0];
	[tilespmem:s9+$0x0] =	vst v3;
	v2 =	vmul.f32 v8, v2  }
0xe8: {  	v8 =	vld [tilespmem:s12+$0x10];
	[tilespmem:s9+$0x10] =	vst v1  }
0xe9: {  	v11 =	vld [tilespmem:s12+$0x20];
	[tilespmem:s9+$0x20] =	vst v2  }
0xea: {  	v2 =	vld [tilespmem:s12+$0xFFFFFFC0]  }
0xeb: {  	s2 =	sadd.s32 $0x80, s2;
	v12 =	vld.idx.msk [tilespmem:v13+s0+$0x0], $0xffff  }
0xec: {  	v13 =	vld [tilespmem:s2+$0x30]  }
0xed: {  	v14 =	vld.idx.msk [tilespmem:v10+s0+$0x0], $0xffff  }
0xee: {  	v5 =	vld.idx.msk [tilespmem:v9+s0+$0x0], $0xffff  }
0xef: {  	v4 =	vld.idx.msk [tilespmem:v7+s0+$0x0], $0xffff  }
0xf0: {  	v3 =	vld.idx.msk [tilespmem:v6+s0+$0x0], $0xffff  }
0xf1: {  	v1 =	vld.idx.msk [tilespmem:v8+s0+$0x0], $0xffff;
	v6 =	vmul.f32 v13, v12  }
0xf2: {  	s9 =	sadd.s32 $0x80, s9;
	v8 =	vld.idx.msk [tilespmem:v2+s0+$0x0], $0xffff  }
0xf3: {  	v2 =	vld.idx.msk [tilespmem:v11+s0+$0x0], $0xffff;
	[tilespmem:s9+$0x30] =	vst v6  }
0xf4: {  	v6 =	vld [tilespmem:s2+$0xFFFFFFC0]  }
0xf5: {  	v11 =	vld [tilespmem:s2+$0xFFFFFFD0]  }
.Ltmp5:
0xf6: {  	v10 =	vld [tilespmem:s2+$0xFFFFFFE0];
	(pc) =	sbr.rel @p0 .LBB2_12-.Ltmp5, $4  }
0xf7: {  	v9 =	vld [tilespmem:s2+$0xFFFFFFF0]  }
0xf8: {  	v7 =	vld [tilespmem:s2+$0x0]  }
0xf9: {  	v12 =	vmul.f32 v6, v8;
	v6 =	vld [tilespmem:s2+$0x10]  }
0xfa: {  	s12 =	sadd.s32 $0x80, s12;
	v11 =	vmul.f32 v11, v14;
	v8 =	vld [tilespmem:s2+$0x20]  }
0xfb: {  	[tilespmem:s9+$0xFFFFFFC0] =	vst v12;
	v5 =	vmul.f32 v10, v5  }
0xfc: {  	[tilespmem:s9+$0xFFFFFFD0] =	vst v11;
	v4 =	vmul.f32 v9, v4  }
0xfd: {  	[tilespmem:s9+$0xFFFFFFE0] =	vst v5;
	v3 =	vmul.f32 v7, v3  }
0xfe: {  	[tilespmem:s9+$0xFFFFFFF0] =	vst v4;
	v1 =	vmul.f32 v6, v1  }
0xff: {  	[tilespmem:s9+$0x0] =	vst v3;
	v2 =	vmul.f32 v8, v2  }
0x100: {  	[tilespmem:s9+$0x10] =	vst v1  }
0x101: {  	[tilespmem:s9+$0x20] =	vst v2  }
.LBB2_14:
0x102: {  	s2 =	sshra.s32 s0, $0x2  }
0x103: {  	v1 =	vld [tilespmem:s2+$0x19780];
	_ =	sdelay $0x6  }
0x104: {  	v2 =	vld [tilespmem:s2+$0x1B700]  }
0x105: {  	v1 =	vld.idx.msk [tilespmem:v1+s4+$0x0], $0xffff;
	_ =	sdelay $0x1  }
0x106: {  	p0 =	sne.s32 s0, $0x40  }
.Ltmp6:
0x107: {  	_ = 	snop;
	(pc) =	sbr.rel @p0 .LBB2_14-.Ltmp6, $3  }
0x108: {  	_ = 	snop  }
0x109: {  	v1 =	vmul.f32 v2, v1;
	_ =	sdelay $0x1  }
0x10a: {  	s0 =	sadd.s32 $0x40, s0;
	[tilespmem:s2+$0x1D680] =	vst v1  }
0x10b: {  	s0 =	rddreg [dreg:$0x7]  }
0x10c: {  	[hbm4b:s0+s4] =	stream.linear.scatter [tilespmem:s25], [sflag:$0x5], $0xFA0, $0x38;
	[tilespmem:$0x1E680] =	vst v63  }
0x10d: {  	_ =	swait.ge [sflag:s31], $0xFA0  }
0x10e: {  	[sflag:s31] =	ssyncset.done $0x0  }
0x10f: {  	[sflag:s31] =	ssyncadd.s32 $0xFFFFF060  }
0x110: {  	_ =	swait.ge [sflag:s30], $0xFA0  }
0x111: {  	[sflag:s30] =	ssyncset.done $0x0  }
0x112: {  	s0 =	simm.s32 $0x40;
	[sflag:s30] =	ssyncadd.s32 $0xFFFFF060  }
0x113: {  	[tilespmem:s0+$0xFFFFFFC0] =	vst v0  }
0x114: {  	[tilespmem:s0+$0x30] =	vst v0  }
0x115: {  	[tilespmem:s0+$0x20] =	vst v0  }
0x116: {  	[tilespmem:s0+$0x10] =	vst v0  }
0x117: {  	[tilespmem:s0+$0x0] =	vst v0  }
0x118: {  	[tilespmem:s0+$0xFFFFFFF0] =	vst v0  }
0x119: {  	s2 =	simm.s32 $0x0;
	[tilespmem:s0+$0xFFFFFFE0] =	vst v0  }
.LBB2_16:
0x11a: {  	s2 =	sadd.s32 $0x8, s2;
	[tilespmem:s0+$0xFFFFFFD0] =	vst v0;
	s0 =	sadd.s32 $0x80, s0  }
0x11b: {  	[tilespmem:s0+$0xFFFFFFC0] =	vst v0;
	p0 =	slt.u32 s2, $0x1878  }
0x11c: {  	[tilespmem:s0+$0x30] =	vst v0  }
.Ltmp7:
0x11d: {  	[tilespmem:s0+$0x20] =	vst v0;
	(pc) =	sbr.rel @p0 .LBB2_16-.Ltmp7, $4  }
0x11e: {  	[tilespmem:s0+$0x10] =	vst v0  }
0x11f: {  	[tilespmem:s0+$0x0] =	vst v0  }
0x120: {  	[tilespmem:s0+$0xFFFFFFF0] =	vst v0  }
0x121: {  	[tilespmem:s0+$0xFFFFFFE0] =	vst v0  }
0x122: {  	[tilespmem:s0+$0xFFFFFFD0] =	vst v0  }
0x123: {  	s0 =	simm.s32 $0x0;
	s2 =	rddreg [dreg:$0x8]  }
0x124: {  	[tilespmem:s19], [sflag:$0x1] =	stream.linear.gather [hbm4b:s2+s0], $0xFA0, $0x38;
	[tilespmem:$0x1E680] =	vst v63  }
0x125: {  	s17 =	rddreg [dreg:$0x6];
	s2 =	simm.s32 $0x0  }
0x126: {  	[tilespmem:s20], [sflag:$0x3] =	stream.linear.gather [hbm4b:s17+s0], $0xFA0, $0x38;
	[tilespmem:$0x1E680] =	vst v63  }
.LBB2_18:
0x127: {  	s9 =	smul.u32 $0x1F40, s2;
	_ =	sdelay $0x1  }
0x128: {  	s10 =	sadd.s32 s9, s15  }
0x129: {  	s10 =	sshrl.u32 s10, $0x3  }
0x12a: {  	s12 =	sadd.s32 s5, s10  }
0x12b: {  	[tilespmem:s21], [sflag:$0x2] =	stream.linear.gather [hbm4b:s12+s4], $0xFA0, $0x38;
	[tilespmem:$0x1E680] =	vst v63  }
0x12c: {  	s10 =	sadd.s32 s8, s10  }
0x12d: {  	[tilespmem:s22], [sflag:$0x4] =	stream.linear.gather [hbm4b:s10+s4], $0xFA0, $0x38;
	[tilespmem:$0x1E680] =	vst v63  }
0x12e: {  	_ =	swait.ge [sflag:s23], $0xFA0  }
0x12f: {  	[sflag:s23] =	ssyncset.done $0x0  }
0x130: {  	[sflag:s23] =	ssyncadd.s32 $0xFFFFF060  }
0x131: {  	_ =	swait.ge [sflag:s24], $0xFA0  }
0x132: {  	[sflag:s24] =	ssyncset.done $0x0  }
0x133: {  	s17 =	simm.s32 $0x18840;
	[sflag:s24] =	ssyncadd.s32 $0xFFFFF060  }
0x134: {  	v1 =	vld [tilespmem:s17+$0x30]  }
0x135: {  	v2 =	vld [tilespmem:s17+$0xFFFFFFD0]  }
0x136: {  	s10 =	simm.s32 $0x1A7C0;
	v3 =	vld [tilespmem:s17+$0xFFFFFFE0]  }
0x137: {  	v4 =	vld [tilespmem:s10+$0x30]  }
0x138: {  	v5 =	vld [tilespmem:s17+$0xFFFFFFF0]  }
0x139: {  	v6 =	vld [tilespmem:s17+$0x0]  }
0x13a: {  	v7 =	vld [tilespmem:s17+$0x10]  }
0x13b: {  	v8 =	vld [tilespmem:s17+$0x20]  }
0x13c: {  	v63 =	vld [tilespmem:s10+$0xFFFFFFC0]  }
0x13d: {  	v9 =	vld [tilespmem:s10+$0xFFFFFFD0]  }
0x13e: {  	v10 =	vld [tilespmem:s10+$0xFFFFFFE0]  }
0x13f: {  	v11 =	vld [tilespmem:s10+$0xFFFFFFF0]  }
0x140: {  	v12 =	vld [tilespmem:s10+$0x0]  }
0x141: {  	v13 =	vld [tilespmem:s10+$0x10]  }
0x142: {  	[tilespmem:v1+s0+$0x0] =	vst.idx.add.f32.msk $0xffff, v4  }
0x143: {  	v1 =	vld [tilespmem:s17+$0xFFFFFFC0]  }
0x144: {  	v14 =	vld [tilespmem:s10+$0x20]  }
0x145: {  	[tilespmem:v2+s0+$0x0] =	vst.idx.add.f32.msk $0xffff, v9  }
0x146: {  	[tilespmem:v3+s0+$0x0] =	vst.idx.add.f32.msk $0xffff, v10  }
0x147: {  	[tilespmem:v5+s0+$0x0] =	vst.idx.add.f32.msk $0xffff, v11  }
0x148: {  	[tilespmem:v6+s0+$0x0] =	vst.idx.add.f32.msk $0xffff, v12  }
0x149: {  	[tilespmem:v7+s0+$0x0] =	vst.idx.add.f32.msk $0xffff, v13  }
0x14a: {  	[tilespmem:v8+s0+$0x0] =	vst.idx.add.f32.msk $0xffff, v14  }
0x14b: {  	s13 =	simm.s32 $0x188C0;
	s12 =	simm.s32 $0x0;
	[tilespmem:v1+s0+$0x0] =	vst.idx.add.f32.msk $0xffff, v63  }
.LBB2_19:
0x14c: {  	v1 =	vld [tilespmem:s13+$0x30];
	s12 =	sadd.s32 $0x8, s12  }
0x14d: {  	v2 =	vld [tilespmem:s13+$0xFFFFFFD0];
	p0 =	slt.u32 s12, $0xF0  }
0x14e: {  	s10 =	sadd.s32 $0x80, s10;
	v3 =	vld [tilespmem:s13+$0xFFFFFFE0]  }
0x14f: {  	v4 =	vld [tilespmem:s10+$0x30]  }
0x150: {  	v5 =	vld [tilespmem:s13+$0xFFFFFFF0]  }
0x151: {  	v6 =	vld [tilespmem:s13+$0x0]  }
0x152: {  	v7 =	vld [tilespmem:s13+$0x10]  }
0x153: {  	s14 =	simm.s32 $0x0;
	v8 =	vld [tilespmem:s13+$0x20]  }
0x154: {  	[tilespmem:v1+s14+$0x0] =	vst.idx.add.f32.msk $0xffff, v4  }
0x155: {  	v1 =	vld [tilespmem:s13+$0xFFFFFFC0]  }
0x156: {  	v4 =	vld [tilespmem:s10+$0xFFFFFFC0]  }
0x157: {  	v9 =	vld [tilespmem:s10+$0xFFFFFFD0]  }
0x158: {  	v10 =	vld [tilespmem:s10+$0xFFFFFFE0]  }
0x159: {  	v11 =	vld [tilespmem:s10+$0xFFFFFFF0]  }
0x15a: {  	v12 =	vld [tilespmem:s10+$0x0]  }
0x15b: {  	v13 =	vld [tilespmem:s10+$0x10]  }
0x15c: {  	v14 =	vld [tilespmem:s10+$0x20]  }
0x15d: {  	[tilespmem:v1+s14+$0x0] =	vst.idx.add.f32.msk $0xffff, v4  }
0x15e: {  	[tilespmem:v2+s14+$0x0] =	vst.idx.add.f32.msk $0xffff, v9  }
.Ltmp8:
0x15f: {  	[tilespmem:v3+s14+$0x0] =	vst.idx.add.f32.msk $0xffff, v10;
	(pc) =	sbr.rel @p0 .LBB2_19-.Ltmp8, $4  }
0x160: {  	[tilespmem:v5+s14+$0x0] =	vst.idx.add.f32.msk $0xffff, v11  }
0x161: {  	[tilespmem:v6+s14+$0x0] =	vst.idx.add.f32.msk $0xffff, v12  }
0x162: {  	[tilespmem:v7+s14+$0x0] =	vst.idx.add.f32.msk $0xffff, v13  }
0x163: {  	s13 =	sadd.s32 $0x80, s13;
	[tilespmem:v8+s14+$0x0] =	vst.idx.add.f32.msk $0xffff, v14  }
.LBB2_20:
0x164: {  	s10 =	sshra.s32 s14, $0x2  }
0x165: {  	v1 =	vld [tilespmem:s10+$0x19780];
	_ =	sdelay $0x2  }
0x166: {  	p0 =	sne.s32 s14, $0x40;
	v2 =	vld [tilespmem:s10+$0x1B700]  }
.Ltmp9:
0x167: {  	_ = 	snop;
	(pc) =	sbr.rel @p0 .LBB2_20-.Ltmp9, $2  }
0x168: {  	_ =	sdelay $0x2  }
0x169: {  	s14 =	sadd.s32 $0x40, s14;
	[tilespmem:v1+s4+$0x0] =	vst.idx.add.f32.msk $0xffff, v2  }
0x16a: {  	s9 =	sadd.s32 s9, s11  }
0x16b: {  	s9 =	sshrl.u32 s9, $0x3  }
0x16c: {  	s10 =	sadd.s32 s5, s9  }
0x16d: {  	[tilespmem:s19], [sflag:$0x1] =	stream.linear.gather [hbm4b:s10+s4], $0xFA0, $0x38;
	[tilespmem:$0x1E680] =	vst v63  }
0x16e: {  	s9 =	sadd.s32 s8, s9  }
0x16f: {  	[tilespmem:s20], [sflag:$0x3] =	stream.linear.gather [hbm4b:s9+s4], $0xFA0, $0x38;
	[tilespmem:$0x1E680] =	vst v63  }
0x170: {  	_ =	swait.ge [sflag:s26], $0xFA0  }
0x171: {  	[sflag:s26] =	ssyncset.done $0x0  }
0x172: {  	[sflag:s26] =	ssyncadd.s32 $0xFFFFF060  }
0x173: {  	_ =	swait.ge [sflag:s28], $0xFA0  }
0x174: {  	[sflag:s28] =	ssyncset.done $0x0  }
0x175: {  	s12 =	simm.s32 $0x19810;
	[sflag:s28] =	ssyncadd.s32 $0xFFFFF060  }
0x176: {  	v1 =	vld [tilespmem:s12+$0x0]  }
0x177: {  	v2 =	vld [tilespmem:s12+$0xFFFFFFA0]  }
0x178: {  	s10 =	simm.s32 $0x1B790;
	v3 =	vld [tilespmem:s12+$0xFFFFFFB0]  }
0x179: {  	v4 =	vld [tilespmem:s10+$0x0]  }
0x17a: {  	v5 =	vld [tilespmem:s12+$0xFFFFFFC0]  }
0x17b: {  	v6 =	vld [tilespmem:s12+$0xFFFFFFD0]  }
0x17c: {  	v7 =	vld [tilespmem:s12+$0xFFFFFFE0]  }
0x17d: {  	v8 =	vld [tilespmem:s12+$0xFFFFFFF0]  }
0x17e: {  	v63 =	vld [tilespmem:s10+$0xFFFFFF90]  }
0x17f: {  	v9 =	vld [tilespmem:s10+$0xFFFFFFA0]  }
0x180: {  	v10 =	vld [tilespmem:s10+$0xFFFFFFB0]  }
0x181: {  	v11 =	vld [tilespmem:s10+$0xFFFFFFC0]  }
0x182: {  	v12 =	vld [tilespmem:s10+$0xFFFFFFD0]  }
0x183: {  	s9 =	simm.s32 $0x0;
	v13 =	vld [tilespmem:s10+$0xFFFFFFE0]  }
0x184: {  	[tilespmem:v1+s9+$0x0] =	vst.idx.add.f32.msk $0xffff, v4  }
0x185: {  	v1 =	vld [tilespmem:s12+$0xFFFFFF90]  }
0x186: {  	v14 =	vld [tilespmem:s10+$0xFFFFFFF0]  }
0x187: {  	[tilespmem:v2+s9+$0x0] =	vst.idx.add.f32.msk $0xffff, v9  }
0x188: {  	[tilespmem:v3+s9+$0x0] =	vst.idx.add.f32.msk $0xffff, v10  }
0x189: {  	[tilespmem:v5+s9+$0x0] =	vst.idx.add.f32.msk $0xffff, v11  }
0x18a: {  	[tilespmem:v6+s9+$0x0] =	vst.idx.add.f32.msk $0xffff, v12  }
0x18b: {  	[tilespmem:v7+s9+$0x0] =	vst.idx.add.f32.msk $0xffff, v13  }
0x18c: {  	[tilespmem:v8+s9+$0x0] =	vst.idx.add.f32.msk $0xffff, v14  }
0x18d: {  	s13 =	simm.s32 $0x19890;
	s12 =	simm.s32 $0x0;
	[tilespmem:v1+s9+$0x0] =	vst.idx.add.f32.msk $0xffff, v63  }
.LBB2_22:
0x18e: {  	v1 =	vld [tilespmem:s13+$0x0];
	s12 =	sadd.s32 $0x8, s12  }
0x18f: {  	v2 =	vld [tilespmem:s13+$0xFFFFFFA0];
	p0 =	slt.u32 s12, $0xF0  }
0x190: {  	s10 =	sadd.s32 $0x80, s10;
	v3 =	vld [tilespmem:s13+$0xFFFFFFB0]  }
0x191: {  	v4 =	vld [tilespmem:s10+$0x0]  }
0x192: {  	v5 =	vld [tilespmem:s13+$0xFFFFFFC0]  }
0x193: {  	v6 =	vld [tilespmem:s13+$0xFFFFFFD0]  }
0x194: {  	v7 =	vld [tilespmem:s13+$0xFFFFFFE0]  }
0x195: {  	v8 =	vld [tilespmem:s13+$0xFFFFFFF0]  }
0x196: {  	[tilespmem:v1+s9+$0x0] =	vst.idx.add.f32.msk $0xffff, v4  }
0x197: {  	v1 =	vld [tilespmem:s13+$0xFFFFFF90]  }
0x198: {  	v4 =	vld [tilespmem:s10+$0xFFFFFF90]  }
0x199: {  	v9 =	vld [tilespmem:s10+$0xFFFFFFA0]  }
0x19a: {  	v10 =	vld [tilespmem:s10+$0xFFFFFFB0]  }
0x19b: {  	v11 =	vld [tilespmem:s10+$0xFFFFFFC0]  }
0x19c: {  	v12 =	vld [tilespmem:s10+$0xFFFFFFD0]  }
0x19d: {  	v13 =	vld [tilespmem:s10+$0xFFFFFFE0]  }
0x19e: {  	v14 =	vld [tilespmem:s10+$0xFFFFFFF0]  }
0x19f: {  	[tilespmem:v1+s9+$0x0] =	vst.idx.add.f32.msk $0xffff, v4  }
0x1a0: {  	[tilespmem:v2+s9+$0x0] =	vst.idx.add.f32.msk $0xffff, v9  }
.Ltmp10:
0x1a1: {  	[tilespmem:v3+s9+$0x0] =	vst.idx.add.f32.msk $0xffff, v10;
	(pc) =	sbr.rel @p0 .LBB2_22-.Ltmp10, $4  }
0x1a2: {  	[tilespmem:v5+s9+$0x0] =	vst.idx.add.f32.msk $0xffff, v11  }
0x1a3: {  	[tilespmem:v6+s9+$0x0] =	vst.idx.add.f32.msk $0xffff, v12  }
0x1a4: {  	[tilespmem:v7+s9+$0x0] =	vst.idx.add.f32.msk $0xffff, v13  }
0x1a5: {  	s13 =	sadd.s32 $0x80, s13;
	[tilespmem:v8+s9+$0x0] =	vst.idx.add.f32.msk $0xffff, v14  }
.LBB2_23:
0x1a6: {  	s10 =	sshra.s32 s9, $0x2  }
0x1a7: {  	v1 =	vld [tilespmem:s10+$0x1A720];
	_ =	sdelay $0x2  }
0x1a8: {  	p0 =	sne.s32 s9, $0x40;
	v2 =	vld [tilespmem:s10+$0x1C6A0]  }
.Ltmp11:
0x1a9: {  	_ = 	snop;
	(pc) =	sbr.rel @p0 .LBB2_23-.Ltmp11, $2  }
0x1aa: {  	_ =	sdelay $0x2  }
0x1ab: {  	s9 =	sadd.s32 $0x40, s9;
	[tilespmem:v1+s4+$0x0] =	vst.idx.add.f32.msk $0xffff, v2  }
0x1ac: {  	s2 =	sadd.s32 $0x1, s2  }
0x1ad: {  	p0 =	sne.s32 s2, $0xC  }
.Ltmp12:
0x1ae: {  	_ = 	snop;
	(pc) =	sbr.rel @p0 .LBB2_18-.Ltmp12, $1  }
0x1af: {  	_ =	sdelay $0x3  }
0x1b0: {  	_ =	swait.ge [sflag:s23], $0xFA0  }
0x1b1: {  	[sflag:s23] =	ssyncset.done $0x0  }
0x1b2: {  	[sflag:s23] =	ssyncadd.s32 $0xFFFFF060  }
0x1b3: {  	_ =	swait.ge [sflag:s24], $0xFA0  }
0x1b4: {  	[sflag:s24] =	ssyncset.done $0x0  }
0x1b5: {  	s9 =	simm.s32 $0x18840;
	[sflag:s24] =	ssyncadd.s32 $0xFFFFF060  }
0x1b6: {  	v1 =	vld [tilespmem:s9+$0x30]  }
0x1b7: {  	v2 =	vld [tilespmem:s9+$0xFFFFFFD0]  }
0x1b8: {  	s2 =	simm.s32 $0x1A7C0;
	v3 =	vld [tilespmem:s9+$0xFFFFFFE0]  }
0x1b9: {  	v4 =	vld [tilespmem:s2+$0x30]  }
0x1ba: {  	v5 =	vld [tilespmem:s9+$0xFFFFFFF0]  }
0x1bb: {  	v6 =	vld [tilespmem:s9+$0x0]  }
0x1bc: {  	v7 =	vld [tilespmem:s9+$0x10]  }
0x1bd: {  	v8 =	vld [tilespmem:s9+$0x20]  }
0x1be: {  	v63 =	vld [tilespmem:s2+$0xFFFFFFC0]  }
0x1bf: {  	v9 =	vld [tilespmem:s2+$0xFFFFFFD0]  }
0x1c0: {  	v10 =	vld [tilespmem:s2+$0xFFFFFFE0]  }
0x1c1: {  	v11 =	vld [tilespmem:s2+$0xFFFFFFF0]  }
0x1c2: {  	v12 =	vld [tilespmem:s2+$0x0]  }
0x1c3: {  	s0 =	simm.s32 $0x0;
	v13 =	vld [tilespmem:s2+$0x10]  }
0x1c4: {  	[tilespmem:v1+s0+$0x0] =	vst.idx.add.f32.msk $0xffff, v4  }
0x1c5: {  	v1 =	vld [tilespmem:s9+$0xFFFFFFC0]  }
0x1c6: {  	v14 =	vld [tilespmem:s2+$0x20]  }
0x1c7: {  	[tilespmem:v2+s0+$0x0] =	vst.idx.add.f32.msk $0xffff, v9  }
0x1c8: {  	[tilespmem:v3+s0+$0x0] =	vst.idx.add.f32.msk $0xffff, v10  }
0x1c9: {  	[tilespmem:v5+s0+$0x0] =	vst.idx.add.f32.msk $0xffff, v11  }
0x1ca: {  	[tilespmem:v6+s0+$0x0] =	vst.idx.add.f32.msk $0xffff, v12  }
0x1cb: {  	[tilespmem:v7+s0+$0x0] =	vst.idx.add.f32.msk $0xffff, v13  }
0x1cc: {  	[tilespmem:v8+s0+$0x0] =	vst.idx.add.f32.msk $0xffff, v14  }
0x1cd: {  	s10 =	simm.s32 $0x188C0;
	s9 =	simm.s32 $0x0;
	[tilespmem:v1+s0+$0x0] =	vst.idx.add.f32.msk $0xffff, v63  }
.LBB2_26:
0x1ce: {  	v1 =	vld [tilespmem:s10+$0x30];
	s9 =	sadd.s32 $0x8, s9  }
0x1cf: {  	v2 =	vld [tilespmem:s10+$0xFFFFFFD0];
	p0 =	slt.u32 s9, $0xF0  }
0x1d0: {  	s2 =	sadd.s32 $0x80, s2;
	v3 =	vld [tilespmem:s10+$0xFFFFFFE0]  }
0x1d1: {  	v4 =	vld [tilespmem:s2+$0x30]  }
0x1d2: {  	v5 =	vld [tilespmem:s10+$0xFFFFFFF0]  }
0x1d3: {  	v6 =	vld [tilespmem:s10+$0x0]  }
0x1d4: {  	v7 =	vld [tilespmem:s10+$0x10]  }
0x1d5: {  	v8 =	vld [tilespmem:s10+$0x20]  }
0x1d6: {  	[tilespmem:v1+s0+$0x0] =	vst.idx.add.f32.msk $0xffff, v4  }
0x1d7: {  	v1 =	vld [tilespmem:s10+$0xFFFFFFC0]  }
0x1d8: {  	v4 =	vld [tilespmem:s2+$0xFFFFFFC0]  }
0x1d9: {  	v9 =	vld [tilespmem:s2+$0xFFFFFFD0]  }
0x1da: {  	v10 =	vld [tilespmem:s2+$0xFFFFFFE0]  }
0x1db: {  	v11 =	vld [tilespmem:s2+$0xFFFFFFF0]  }
0x1dc: {  	v12 =	vld [tilespmem:s2+$0x0]  }
0x1dd: {  	v13 =	vld [tilespmem:s2+$0x10]  }
0x1de: {  	v14 =	vld [tilespmem:s2+$0x20]  }
0x1df: {  	[tilespmem:v1+s0+$0x0] =	vst.idx.add.f32.msk $0xffff, v4  }
0x1e0: {  	[tilespmem:v2+s0+$0x0] =	vst.idx.add.f32.msk $0xffff, v9  }
.Ltmp13:
0x1e1: {  	[tilespmem:v3+s0+$0x0] =	vst.idx.add.f32.msk $0xffff, v10;
	(pc) =	sbr.rel @p0 .LBB2_26-.Ltmp13, $4  }
0x1e2: {  	[tilespmem:v5+s0+$0x0] =	vst.idx.add.f32.msk $0xffff, v11  }
0x1e3: {  	[tilespmem:v6+s0+$0x0] =	vst.idx.add.f32.msk $0xffff, v12  }
0x1e4: {  	[tilespmem:v7+s0+$0x0] =	vst.idx.add.f32.msk $0xffff, v13  }
0x1e5: {  	s10 =	sadd.s32 $0x80, s10;
	[tilespmem:v8+s0+$0x0] =	vst.idx.add.f32.msk $0xffff, v14  }
.LBB2_27:
0x1e6: {  	s2 =	sshra.s32 s0, $0x2  }
0x1e7: {  	v1 =	vld [tilespmem:s2+$0x19780];
	_ =	sdelay $0x2  }
0x1e8: {  	p0 =	sne.s32 s0, $0x40;
	v2 =	vld [tilespmem:s2+$0x1B700]  }
.Ltmp14:
0x1e9: {  	_ = 	snop;
	(pc) =	sbr.rel @p0 .LBB2_27-.Ltmp14, $2  }
0x1ea: {  	_ =	sdelay $0x2  }
0x1eb: {  	s0 =	sadd.s32 $0x40, s0;
	[tilespmem:v1+s4+$0x0] =	vst.idx.add.f32.msk $0xffff, v2  }
0x1ec: {  	s0 =	rddreg [dreg:$0x9];
	s2 =	simm.s32 $0x80;
	s9 =	simm.s32 $0x400  }
0x1ed: {  	[hbm4b:s0+s2] =	stream.strided.scatter [tilespmem:s4], [sflag:$0x7], $0x18800, s9, s2, $0x38;
	[tilespmem:$0x1E680] =	vst v63  }
0x1ee: {  	_ =	swait.ge [sflag:s18], $0x18800  }
0x1ef: {  	s1 =	sadd.s32 $0x1, s1;
	s17 =	rddreg [dreg:$0xa]  }
0x1f0: {  	p0 =	sne.s32 s1, s17  }
.Ltmp15:
0x1f1: {  	_ = 	snop;
	(pc) =	sbr.rel @p0 .LBB2_1-.Ltmp15, $3  }
0x1f2: {  	_ =	sdelay $0x1  }
0x1f3: {  	[sflag:s18] =	ssyncset.done $0x0  }
0x1f4: {  	[sflag:s18] =	ssyncadd.s32 $0xFFFE7800  }
0x1f5: {  	_ =	sfence.sel $0x180000  }
0x1f6: {  	[bflag:$0x0] =	sbarrier.arrive $0xFFFF  }
0x1f7: {  	_ =	strace $0x90000047  }
0x1f8: {  	s0 =	stileid.u32;
	[bflag:$0x2] =	sbarrier.arrive $0xFFFF  }
0x1f9: {  	p0 =	sne.s32 s0, $0x0;
	s0 =	rddreg [dreg:$0x3]  }
0x1fa: {  	s0 =	sadd.s32 @!p0 $0x100000, s0  }
0x1fb: {  	[sflag:s0] =	ssyncadd.tile.s32 @!p0 $0x1;
	_ =	shalt  }
.Lfunc_end2:
_tile_overlayer_lowered:
.L_overlay_start_2:
0x1fc: {  	(tag) =	ssettag $0x2  }
0x1fd: {  	s0 =	rddreg [dreg:$0x0];
	s2 =	stileid.u32  }
0x1fe: {  	s1 =	rddreg [dreg:$0x1];
	p0 =	sne.s32 s2, $0x0  }
0x1ff: {  	s3 =	rddreg [dreg:$0x2];
	[bflag:$0x3] =	sbarrier.arrive $0xFFFF;
	s2 =	simm.s32 @!p0 $0x1C07  }
0x200: {  	[timem:s3], [sflag:s2] =	dma.local @!p0 [hbm:s0], s1  }
0x201: {  	s0 =	simm.s32 @!p0 $0x7  }
0x202: {  	_ =	swait.ge @!p0 [sflag:s0], s1  }
0x203: {  	s1 =	ssub.s32 @!p0 $0x0, s1;
	[sflag:s0] =	ssyncset.done @!p0 $0x0  }
0x204: {  	[sflag:s0] =	ssyncadd.s32 @!p0 s1  }
0x205: {  	[bflag:$0x3] =	sbarrier.arrive $0xFFFF  }
0x206: {  	_ =	shalt  }

// kernel: kernel.9.cloned.1.call-start
scs
__scs_entry_jumppad:
0x0: {  	(pc) =	sbr.rel $0x88, $3  }
0x1: {  	(tag) =	ssettag $0x0;
	lr =	simm.s32 $0x1  }
0x2: {  	[smem:$0x3F9C] =	sst lr;
	_ =	strace $0xD0000000  }
0x3: {  	_ = 	snop  }
0x4: {  	_ = 	snop  }
0x5: {  	_ = 	snop  }
0x6: {  	_ = 	snop  }
0x7: {  	_ = 	snop  }
__scs_overlays_trampoline_lowered:
0x8: {  	[smem:$0x3FAB] =	sst s0  }
0x9: {  	[smem:$0x3FAC] =	sst s1  }
0xa: {  	[smem:$0x3FAD] =	sst s2  }
0xb: {  	[smem:$0x3FAE] =	sst s3  }
0xc: {  	[smem:$0x3FAF] =	sst s4  }
0xd: {  	[smem:$0x3FB0] =	sst s5  }
0xe: {  	[smem:$0x3FB1] =	sst s6  }
0xf: {  	[smem:$0x3FB2] =	sst s7  }
0x10: {  	[smem:$0x3FB3] =	sst s8  }
0x11: {  	[smem:$0x3FB4] =	sst s9;
	s0 =	simm.s32 @!p0 $0x0  }
0x12: {  	s1 =	sld [smem:$0x3F9A];
	s0 =	simm.s32 @p0 $0x1  }
0x13: {  	[smem:$0x3FB5] =	sst s0;
	s0 =	simm.s32 @!p1 $0x0  }
0x14: {  	s2 =	sld [smem:$0x3F99];
	s0 =	simm.s32 @p1 $0x1  }
0x15: {  	[smem:$0x3FB6] =	sst s0;
	s0 =	simm.s32 @!p2 $0x0  }
0x16: {  	s3 =	sld [smem:$0x3FDB];
	s0 =	simm.s32 @p2 $0x1  }
0x17: {  	s4 =	simm.s32 $0x1BF5;
	[smem:$0x3FB8] =	sst s0  }
0x18: {  	s0 =	sld [smem:$0x3F9B];
	_ =	swait.ge [sflag:s4], $0x0  }
0x19: {  	s7 =	sld [smem:$0x3F9C]  }
0x1a: {  	s8 =	sadd.s32 $0xFFFFE003, lr  }
0x1b: {  	s9 =	sadd.s32 $0xFFFFFEF7, lr;
	s5 =	simm.s32 $0xFFFFFFFF;
	p2 =	slt.u32 s8, $0xFFFFF086  }
0x1c: {  	p1 =	slt.u32 s9, $0xF7A;
	s5 =	simm.s32 @!p2 $0x0  }
0x1d: {  	s5 =	simm.s32 @p1 $0x1;
	p0 =	seq.s32 s7, s2  }
0x1e: {  	s7 =	smul.u32 @!p0 $0xF7A, s2;
	p2 =	seq.s32 @!p0 s5, $0x0  }
0x1f: {  	s9 =	smul.u32 $0xF7A, s1;
	s8 =	simm.s32 @!p0 $0x1BF5;
	p2 =	por !p2, p0  }
0x20: {  	[sflag:s8] =	ssyncset.s32 @!p0 $0xFFFFF086;
	s6 =	sadd.s32 @!p0 s3, s7;
	s7 =	simm.s32 @!p0 $0x108  }
0x21: {  	s3 =	sadd.s32 s3, s9;
	s6 =	sadd.s32 @!p0 $0x88, s6;
	s7 =	simm.s32 @p2 $0x1082  }
0x22: {  	[simem:s7], [sflag:s8] =	dma.local @!p0 [hbm:s6], $0xF7A  }
0x23: {  	s9 =	sor.u32 $0xD0000000, s2;
	s6 =	simm.s32 $0x108;
	_ =	swait.ge @!p0 [sflag:s8], $0x0  }
0x24: {  	s3 =	sadd.s32 $0x88, s3;
	s6 =	simm.s32 @!p1 $0x1082;
	[sflag:s4] =	ssyncset.s32 $0xFFFFF086  }
0x25: {  	[simem:s6], [sflag:s4] =	dma.local [hbm:s3], $0xF7A  }
0x26: {  	[smem:$0x3F9C] =	sst s1;
	(tag) =	ssettag s2;
	_ =	strace s9  }
0x27: {  	s1 =	sld [smem:$0x3FAC]  }
0x28: {  	s2 =	sld [smem:$0x3FAD]  }
0x29: {  	s4 =	sld [smem:$0x3FAF]  }
0x2a: {  	p0 =	seq.s32 s5, $0x0;
	s5 =	sld [smem:$0x3FB0]  }
0x2b: {  	s6 =	sld [smem:$0x3FB1]  }
0x2c: {  	s7 =	sld [smem:$0x3FB2]  }
0x2d: {  	s3 =	simm.s32 $0x108;
	s8 =	sld [smem:$0x3FB3]  }
0x2e: {  	s3 =	simm.s32 @!p0 $0x1082;
	s9 =	sld [smem:$0x3FB4]  }
0x2f: {  	lr =	sadd.s32 s0, s3;
	s0 =	sld [smem:$0x3FAB]  }
0x30: {  	s3 =	sld [smem:$0x3FAE]  }
0x31: {  	[smem:$0x3FB7] =	sst s10  }
0x32: {  	s10 =	sld [smem:$0x3FB5];
	_ =	sdelay $0x3  }
0x33: {  	p0 =	seq.s32 s10, $0x1;
	s10 =	sld [smem:$0x3FB7];
	_ =	sdelay $0x3  }
0x34: {  	[smem:$0x3FB7] =	sst s10  }
0x35: {  	s10 =	sld [smem:$0x3FB6];
	_ =	sdelay $0x3  }
0x36: {  	p1 =	seq.s32 s10, $0x1;
	s10 =	sld [smem:$0x3FB7];
	_ =	sdelay $0x3  }
0x37: {  	[smem:$0x3FB7] =	sst s10  }
0x38: {  	s10 =	sld [smem:$0x3FB8]  }
0x39: {  	_ = 	snop;
	(pc) =	sbr.ind lr, $3  }
0x3a: {  	_ = 	snop  }
0x3b: {  	_ = 	snop  }
0x3c: {  	p2 =	seq.s32 s10, $0x1;
	s10 =	sld [smem:$0x3FB7]  }
0x3d: {  	_ =	shalt  }
0x3e: {  	_ =	shalt  }
0x3f: {  	_ =	shalt  }
0x40: {  	_ =	shalt  }
0x41: {  	_ =	shalt  }
0x42: {  	_ =	shalt  }
0x43: {  	_ =	shalt  }
0x44: {  	_ =	shalt  }
0x45: {  	_ =	shalt  }
0x46: {  	_ =	shalt  }
0x47: {  	_ =	shalt  }
0x48: {  	_ =	shalt  }
0x49: {  	_ =	shalt  }
0x4a: {  	_ =	shalt  }
0x4b: {  	_ =	shalt  }
0x4c: {  	_ =	shalt  }
0x4d: {  	_ =	shalt  }
0x4e: {  	_ =	shalt  }
0x4f: {  	_ =	shalt  }
0x50: {  	_ =	shalt  }
0x51: {  	_ =	shalt  }
0x52: {  	_ =	shalt  }
0x53: {  	_ =	shalt  }
0x54: {  	_ =	shalt  }
0x55: {  	_ =	shalt  }
0x56: {  	_ =	shalt  }
0x57: {  	_ =	shalt  }
0x58: {  	_ =	shalt  }
0x59: {  	_ =	shalt  }
0x5a: {  	_ =	shalt  }
0x5b: {  	_ =	shalt  }
0x5c: {  	_ =	shalt  }
0x5d: {  	_ =	shalt  }
0x5e: {  	_ =	shalt  }
0x5f: {  	_ =	shalt  }
0x60: {  	_ =	shalt  }
0x61: {  	_ =	shalt  }
0x62: {  	_ =	shalt  }
0x63: {  	_ =	shalt  }
0x64: {  	_ =	shalt  }
0x65: {  	_ =	shalt  }
0x66: {  	_ =	shalt  }
0x67: {  	_ =	shalt  }
0x68: {  	_ =	shalt  }
0x69: {  	_ =	shalt  }
0x6a: {  	_ =	shalt  }
0x6b: {  	_ =	shalt  }
0x6c: {  	_ =	shalt  }
0x6d: {  	_ =	shalt  }
0x6e: {  	_ =	shalt  }
0x6f: {  	_ =	shalt  }
0x70: {  	_ =	shalt  }
0x71: {  	_ =	shalt  }
0x72: {  	_ =	shalt  }
0x73: {  	_ =	shalt  }
0x74: {  	_ =	shalt  }
0x75: {  	_ =	shalt  }
0x76: {  	_ =	shalt  }
0x77: {  	_ =	shalt  }
0x78: {  	_ =	shalt  }
0x79: {  	_ =	shalt  }
0x7a: {  	_ =	shalt  }
0x7b: {  	_ =	shalt  }
0x7c: {  	_ =	shalt  }
0x7d: {  	_ =	shalt  }
0x7e: {  	_ =	shalt  }
0x7f: {  	_ =	shalt  }
0x80: {  	_ =	shalt  }
0x81: {  	_ =	shalt  }
0x82: {  	_ =	shalt  }
0x83: {  	_ =	shalt  }
0x84: {  	_ =	shalt  }
0x85: {  	_ =	shalt  }
0x86: {  	_ =	shalt  }
0x87: {  	_ =	shalt  }
.Lfunc_end0:
.L_simem_size_0:
called_computation.1_lowered:
.L_overlay_start_0:
0x88: {  	s2 =	sld [smem:$0x3FD9]  }
0x89: {  	s3 =	sld [smem:$0x3FFE];
	_ =	sdelay $0x1  }
0x8a: {  	s1 =	srdreg.scid  }
0x8b: {  	s0 =	sand.u32 $0x1, s1  }
0x8c: {  	s17 =	sshll.u32 s0, $0xA;
	s2 =	sadd.s32 s3, s2  }
0x8d: {  	s2 =	sadd.s32 s2, s17  }
0x8e: {  	[smem:$0x3FC3] =	sst s2  }
0x8f: {  	_ = 	snop  }
0x90: {  	s2 =	sld [smem:$0x3FD0];
	(tm) =	ssettm $0x1  }
0x91: {  	s18 =	sld [smem:$0x3FFB];
	_ =	sdelay $0x3  }
0x92: {  	_ =	strace s18  }
0x93: {  	s3 =	sld [smem:$0x3FFC];
	_ =	sdelay $0x3  }
0x94: {  	_ =	strace s3  }
0x95: {  	s3 =	sld [smem:$0x3FFD];
	_ =	sdelay $0x3  }
0x96: {  	_ =	strace s3  }
0x97: {  	_ =	strace $0x8FFFFFFF  }
0x98: {  	s19 =	sld [smem:$0x3FDB];
	_ =	sdelay $0x1  }
0x99: {  	s4 =	simm.s32 $_scs_section_size  }
0x9a: {  	s5 =	simm.s32 $_size__tile_overlayer_lowered;
	s6 =	simm.s32 $_tile_overlayer_lowered  }
0x9b: {  	s22 =	simm.s32 $0x1BFF;
	s21 =	sshll.u32 s6, $0x1;
	s3 =	sadd.s32 s4, s19  }
0x9c: {  	s7 =	simm.s32 $0x0;
	s20 =	sshll.u32 s5, $0x1;
	s5 =	sadd.s32 s21, s3  }
0x9d: {  	[timem:s7], [sflag:s22] =	dma.local [hbm:s5], s20  }
0x9e: {  	_ =	swait.ge [sflag:s22], s20  }
0x9f: {  	s4 =	ssub.s32 $0x0, s20;
	[sflag:s22] =	ssyncset.done $0x0  }
0xa0: {  	[sflag:s22] =	ssyncadd.s32 s4;
	_ =	sdelay $0x1  }
0xa1: {  	s23 =	simm.s32 $0x1B8B  }
0xa2: {  	_ =	swait.ge [sflag:s23], $0x1  }
0xa3: {  	[sflag:s23] =	ssyncset.done $0x0  }
0xa4: {  	s25 =	simm.s32 $0x1B8E;
	s24 =	sld [smem:$0x3FFE];
	[sflag:s23] =	ssyncadd.s32 $0xFFFFFFFF  }
0xa5: {  	s26 =	simm.s32 $execute0_lowered;
	[smem:$0x3FD2] =	sst s25  }
0xa6: {  	s5 =	sshll.u32 s26, $0x1;
	_ =	strace $0x80000049;
	[dreg:$0x1] =	wrdreg $0xFFFFFFFF  }
0xa7: {  	s28 =	simm.s32 $_size_execute0_lowered;
	s3 =	sadd.s32 s3, s5;
	[dreg:$0x0] =	wrdreg $0x0  }
0xa8: {  	s5 =	sshll.u32 s28, $0x1;
	[dreg:$0x2] =	wrdreg s3  }
0xa9: {  	[dreg:$0x3] =	wrdreg s5  }
0xaa: {  	[dreg:$0x4] =	wrdreg $0xC0  }
0xab: {  	_ =	task [dreg:s7], $0x5FFFF  }
0xac: {  	[dreg:$0x1] =	wrdreg $0xFFFFFFFF  }
0xad: {  	[dreg:$0x0] =	wrdreg $0x60  }
0xae: {  	[dreg:$0x2] =	wrdreg s2  }
0xaf: {  	[dreg:$0x3] =	wrdreg s24  }
0xb0: {  	[dreg:$0x4] =	wrdreg $0x9  }
0xb1: {  	_ =	task.clear_ibuf [dreg:s7], $0x5FFFF;
	_ =	strace $0x90000049  }
0xb2: {  	s29 =	simm.s32 $0x9;
	_ =	strace $0x8000004B  }
0xb3: {  	_ =	swait.ge [sflag:s29], $0x1  }
0xb4: {  	[sflag:s29] =	ssyncadd.s32 $0xFFFFFFFF  }
0xb5: {  	_ =	strace $0x9000004B  }
0xb6: {  	_ =	sfence  }
0xb7: {  	s30 =	sld [smem:$0x0];
	_ =	sdelay $0x2  }
0xb8: {  	s31 =	sshll.u32 s1, $0xD;
	s1 =	sshrl.u32 s1, $0x2  }
0xb9: {  	s3 =	sand.u32 $0x4000, s31;
	s1 =	sadd.s32 s1, s30  }
0xba: {  	s0 =	sor.u32 s3, s0;
	s1 =	sshll.u32 s1, $0x11  }
0xbb: {  	s0 =	sor.u32 s1, s0  }
0xbc: {  	s0 =	sadd.s32 $0x8F2B, s0  }
0xbd: {  	[sflag:s0] =	ssyncadd.remote.s32 $0x1  }
0xbe: {  	_ =	sfence.sel $0xFFFF  }
0xbf: {  	[dreg:$0x0] =	wrdreg $0xFFFFFFFF;
	(pc) =	sbr.abs _section_cstart, $3  }
0xc0: {  	[dreg:$0x1] =	wrdreg $0xFFFFFFFF  }
0xc1: {  	_ =	task.clear_ibuf [dreg:s7], $0x2FFFF;
	_ =	strace $0x9FFFFFFF  }
0xc2: {  	(tm) =	ssettm $0x7FFFFFFF  }
0xc3: {  	_ =	shalt  }
tec
execute0_lowered:
.L_overlay_start_1:
0x0: {  	(tag) =	ssettag $0x1  }
0x1: {  	s0 =	rddreg [dreg:$0x1];
	s1 =	srdreg.scid  }
0x2: {  	s4 =	stileid.u32;
	s3 =	simm.s32 $0x0;
	s16 =	simm.s32 $0x7  }
0x3: {  	s17 =	simm.s32 $0x18800;
	s18 =	simm.s32 $0x197A0;
	s19 =	simm.s32 $0x1  }
0x4: {  	s20 =	simm.s32 $0x1C700;
	s21 =	simm.s32 $0x2;
	s22 =	simm.s32 $0x1D6A0  }
0x5: {  	s23 =	simm.s32 $0x5;
	s28 =	simm.s32 $0x3;
	s29 =	simm.s32 $0x4  }
0x6: {  	s1 =	sand.u32 $0x1, s1;
	s2 =	sshll.u32 s4, $0x1;
	[smem:$0x7FF] =	sst s3  }
0x7: {  	s4 =	sshrl.u32 s4, $0x2;
	s5 =	sadd.s32 $0x1000, s0;
	s2 =	sor.u32 s1, s2  }
0x8: {  	_ =	strace $0x8000004A;
	s6 =	smul.u32 $0xC4000, s4;
	s7 =	sshll.u32 s2, $0x7  }
0x9: {  	s4 =	sadd.s32 $0x62C00, s0;
	s1 =	ssub.s32 $0x2, s1;
	s7 =	sand.u32 $0x380, s7  }
0xa: {  	s25 =	sshrl.u32 s1, $0x1;
	s8 =	sor.u32 s6, s7;
	s6 =	smul.u32 $0x186A0, s2  }
0xb: {  	s1 =	ssub.s32 s1, s25;
	s25 =	simm.s32 $0x1A780;
	s7 =	sadd.s32 $0xC4800, s0  }
0xc: {  	s15 =	smax.u32 s1, $0x1;
	s24 =	sshrl.u32 s8, $0x3;
	s26 =	sshrl.u32 s6, $0x3  }
0xd: {  	s0 =	sadd.s32 s24, s0;
	s9 =	sadd.s32 $0x1F40, s6;
	s30 =	sadd.s32 s4, s26  }
0xe: {  	s13 =	sadd.s32 $0xFA0, s6;
	s2 =	sadd.s32 s5, s26;
	[dreg:$0x3] =	wrdreg s30  }
0xf: {  	s10 =	sadd.s32 s7, s26;
	s0 =	sadd.s32 $0x126400, s0;
	[dreg:$0x5] =	wrdreg s2  }
0x10: {  	s24 =	simm.s32 $0x6;
	s31 =	sadd.s32 $0x2EE0, s10;
	[dreg:$0x6] =	wrdreg s0  }
0x11: {  	v0 =	vimm.f32 $0.0e+00;
	s26 =	simm.s32 $0x1B720;
	s0 =	simm.s32 $0x0;
	[dreg:$0x4] =	wrdreg s31  }
.LBB2_1:
0x12: {  	s1 =	rddreg [dreg:$0x0]  }
0x13: {  	[tilespmem:s3], [sflag:$0x7] =	stream.linear.gather [hbm4b:s1+s3], $0x18800, $0x38;
	[tilespmem:$0x1E680] =	vst v63  }
0x14: {  	_ =	swait.ge [sflag:s16], $0x18800  }
0x15: {  	[sflag:s16] =	ssyncset.done $0x0  }
0x16: {  	s1 =	simm.s32 $0x0;
	s31 =	rddreg [dreg:$0x3];
	[sflag:s16] =	ssyncadd.s32 $0xFFFE7800  }
0x17: {  	[tilespmem:s17], [sflag:$0x1] =	stream.linear.gather [hbm4b:s31+s3], $0xFA0, $0x38;
	[tilespmem:$0x1E680] =	vst v63  }
.LBB2_2:
0x18: {  	s30 =	smul.u32 $0x1F40, s1;
	_ =	sdelay $0x1  }
0x19: {  	s2 =	sadd.s32 s13, s30  }
0x1a: {  	s2 =	sshrl.u32 s2, $0x3  }
0x1b: {  	s8 =	sadd.s32 s4, s2  }
0x1c: {  	[tilespmem:s18], [sflag:$0x2] =	stream.linear.gather [hbm4b:s8+s3], $0xFA0, $0x38;
	[tilespmem:$0x1E680] =	vst v63  }
0x1d: {  	_ =	swait.ge [sflag:s19], $0xFA0  }
0x1e: {  	p0 =	seq.s32 s1, $0x0;
	[sflag:s19] =	ssyncset.done $0x0  }
0x1f: {  	s8 =	simm.s32 @!p0 $0x5;
	[sflag:s19] =	ssyncadd.s32 $0xFFFFF060  }
0x20: {  	_ =	swait.ge @!p0 [sflag:s8], $0xFA0  }
0x21: {  	[sflag:s8] =	ssyncset.done @!p0 $0x0  }
0x22: {  	s14 =	simm.s32 $0x18840;
	[sflag:s8] =	ssyncadd.s32 @!p0 $0xFFFFF060  }
0x23: {  	v1 =	vld [tilespmem:s14+$0x30]  }
0x24: {  	v2 =	vld [tilespmem:s14+$0xFFFFFFD0]  }
0x25: {  	v3 =	vld [tilespmem:s14+$0xFFFFFFE0]  }
0x26: {  	v4 =	vld [tilespmem:s14+$0xFFFFFFF0]  }
0x27: {  	v6 =	vld [tilespmem:s14+$0x0]  }
0x28: {  	v7 =	vld [tilespmem:s14+$0x10]  }
0x29: {  	v8 =	vld [tilespmem:s14+$0x20]  }
0x2a: {  	s31 =	simm.s32 $0x0;
	v9 =	vld [tilespmem:s14+$0xFFFFFFC0]  }
0x2b: {  	v10 =	vld.idx.msk [tilespmem:v1+s31+$0x0], $0xffff  }
0x2c: {  	v11 =	vld.idx.msk [tilespmem:v2+s31+$0x0], $0xffff  }
0x2d: {  	v5 =	vld.idx.msk [tilespmem:v3+s31+$0x0], $0xffff  }
0x2e: {  	v4 =	vld.idx.msk [tilespmem:v4+s31+$0x0], $0xffff  }
0x2f: {  	v1 =	vld.idx.msk [tilespmem:v6+s31+$0x0], $0xffff  }
0x30: {  	s11 =	simm.s32 $0x1C740;
	v2 =	vld.idx.msk [tilespmem:v7+s31+$0x0], $0xffff  }
0x31: {  	v3 =	vld.idx.msk [tilespmem:v8+s31+$0x0], $0xffff;
	[tilespmem:s11+$0x30] =	vst v10  }
0x32: {  	s12 =	simm.s32 $0x0;
	s8 =	sadd.s32 s6, s30;
	s14 =	simm.s32 $0x188C0;
	v6 =	vld.idx.msk [tilespmem:v9+s31+$0x0], $0xffff;
	[tilespmem:s11+$0xFFFFFFD0] =	vst v11  }
.LBB2_3:
0x33: {  	v7 =	vld [tilespmem:s14+$0x30];
	s12 =	sadd.s32 $0x8, s12;
	[tilespmem:s11+$0xFFFFFFE0] =	vst v5  }
0x34: {  	v5 =	vld [tilespmem:s14+$0xFFFFFFD0];
	p1 =	slt.u32 s12, $0xF0;
	[tilespmem:s11+$0xFFFFFFF0] =	vst v4  }
0x35: {  	v4 =	vld [tilespmem:s14+$0xFFFFFFE0];
	[tilespmem:s11+$0x0] =	vst v1  }
0x36: {  	v1 =	vld [tilespmem:s14+$0xFFFFFFF0];
	[tilespmem:s11+$0x10] =	vst v2  }
0x37: {  	v2 =	vld [tilespmem:s14+$0x0];
	[tilespmem:s11+$0x20] =	vst v3  }
0x38: {  	v3 =	vld [tilespmem:s14+$0x10];
	[tilespmem:s11+$0xFFFFFFC0] =	vst v6  }
0x39: {  	v6 =	vld [tilespmem:s14+$0x20]  }
0x3a: {  	v8 =	vld [tilespmem:s14+$0xFFFFFFC0]  }
0x3b: {  	v7 =	vld.idx.msk [tilespmem:v7+s31+$0x0], $0xffff  }
0x3c: {  	v9 =	vld.idx.msk [tilespmem:v5+s31+$0x0], $0xffff  }
0x3d: {  	v5 =	vld.idx.msk [tilespmem:v4+s31+$0x0], $0xffff  }
.Ltmp0:
0x3e: {  	v4 =	vld.idx.msk [tilespmem:v1+s31+$0x0], $0xffff;
	(pc) =	sbr.rel @p1 .LBB2_3-.Ltmp0, $4  }
0x3f: {  	v1 =	vld.idx.msk [tilespmem:v2+s31+$0x0], $0xffff  }
0x40: {  	s11 =	sadd.s32 $0x80, s11;
	v2 =	vld.idx.msk [tilespmem:v3+s31+$0x0], $0xffff  }
0x41: {  	v3 =	vld.idx.msk [tilespmem:v6+s31+$0x0], $0xffff;
	[tilespmem:s11+$0x30] =	vst v7  }
0x42: {  	s14 =	sadd.s32 $0x80, s14;
	v6 =	vld.idx.msk [tilespmem:v8+s31+$0x0], $0xffff;
	[tilespmem:s11+$0xFFFFFFD0] =	vst v9  }
0x43: {  	[tilespmem:s11+$0xFFFFFFE0] =	vst v5  }
0x44: {  	[tilespmem:s11+$0xFFFFFFF0] =	vst v4  }
0x45: {  	[tilespmem:s11+$0x0] =	vst v1  }
0x46: {  	[tilespmem:s11+$0x10] =	vst v2  }
0x47: {  	[tilespmem:s11+$0x20] =	vst v3  }
0x48: {  	[tilespmem:s11+$0xFFFFFFC0] =	vst v6  }
.LBB2_5:
0x49: {  	s11 =	sshra.s32 s31, $0x2  }
0x4a: {  	v1 =	vld [tilespmem:s11+$0x19780];
	_ =	sdelay $0x7  }
0x4b: {  	p1 =	sne.s32 s31, $0x40;
	v1 =	vld.idx.msk [tilespmem:v1+s3+$0x0], $0xffff  }
.Ltmp1:
0x4c: {  	_ = 	snop;
	(pc) =	sbr.rel @p1 .LBB2_5-.Ltmp1, $2  }
0x4d: {  	_ =	sdelay $0x2  }
0x4e: {  	s31 =	sadd.s32 $0x40, s31;
	[tilespmem:s11+$0x1D680] =	vst v1  }
0x4f: {  	s8 =	sshrl.u32 s8, $0x3  }
0x50: {  	s14 =	sadd.s32 s30, s9;
	s8 =	sadd.s32 s7, s8  }
0x51: {  	[hbm4b:s8+s3] =	stream.linear.scatter [tilespmem:s20], [sflag:$0x5], $0xFA0, $0x38;
	[tilespmem:$0x1E680] =	vst v63  }
0x52: {  	s8 =	sshrl.u32 s14, $0x3  }
0x53: {  	s8 =	sadd.s32 s4, s8  }
0x54: {  	[tilespmem:s17], [sflag:$0x1] =	stream.linear.gather [hbm4b:s8+s3], $0xFA0, $0x38;
	[tilespmem:$0x1E680] =	vst v63  }
0x55: {  	_ =	swait.ge [sflag:s21], $0xFA0  }
0x56: {  	[sflag:s21] =	ssyncset.done $0x0  }
0x57: {  	s8 =	simm.s32 @!p0 $0x6;
	[sflag:s21] =	ssyncadd.s32 $0xFFFFF060  }
0x58: {  	_ =	swait.ge @!p0 [sflag:s8], $0xFA0  }
0x59: {  	[sflag:s8] =	ssyncset.done @!p0 $0x0  }
0x5a: {  	s31 =	simm.s32 $0x19810;
	[sflag:s8] =	ssyncadd.s32 @!p0 $0xFFFFF060  }
0x5b: {  	v1 =	vld [tilespmem:s31+$0x0]  }
0x5c: {  	v2 =	vld [tilespmem:s31+$0xFFFFFFA0]  }
0x5d: {  	v3 =	vld [tilespmem:s31+$0xFFFFFFB0]  }
0x5e: {  	v4 =	vld [tilespmem:s31+$0xFFFFFFC0]  }
0x5f: {  	v5 =	vld [tilespmem:s31+$0xFFFFFFD0]  }
0x60: {  	v7 =	vld [tilespmem:s31+$0xFFFFFFE0]  }
0x61: {  	v8 =	vld [tilespmem:s31+$0xFFFFFFF0]  }
0x62: {  	s30 =	simm.s32 $0x0;
	v9 =	vld [tilespmem:s31+$0xFFFFFF90]  }
0x63: {  	v10 =	vld.idx.msk [tilespmem:v1+s30+$0x0], $0xffff  }
0x64: {  	v11 =	vld.idx.msk [tilespmem:v2+s30+$0x0], $0xffff  }
0x65: {  	v6 =	vld.idx.msk [tilespmem:v3+s30+$0x0], $0xffff  }
0x66: {  	v4 =	vld.idx.msk [tilespmem:v4+s30+$0x0], $0xffff  }
0x67: {  	v1 =	vld.idx.msk [tilespmem:v5+s30+$0x0], $0xffff  }
0x68: {  	s8 =	simm.s32 $0x1D710;
	v2 =	vld.idx.msk [tilespmem:v7+s30+$0x0], $0xffff  }
0x69: {  	v3 =	vld.idx.msk [tilespmem:v8+s30+$0x0], $0xffff;
	[tilespmem:s8+$0x0] =	vst v10  }
0x6a: {  	s11 =	simm.s32 $0x0;
	s12 =	simm.s32 $0x19890;
	v5 =	vld.idx.msk [tilespmem:v9+s30+$0x0], $0xffff;
	[tilespmem:s8+$0xFFFFFFA0] =	vst v11  }
.LBB2_7:
0x6b: {  	v7 =	vld [tilespmem:s12+$0x0];
	s11 =	sadd.s32 $0x8, s11;
	[tilespmem:s8+$0xFFFFFFB0] =	vst v6  }
0x6c: {  	v6 =	vld [tilespmem:s12+$0xFFFFFFA0];
	p0 =	slt.u32 s11, $0xF0;
	[tilespmem:s8+$0xFFFFFFC0] =	vst v4  }
0x6d: {  	v4 =	vld [tilespmem:s12+$0xFFFFFFB0];
	[tilespmem:s8+$0xFFFFFFD0] =	vst v1  }
0x6e: {  	v1 =	vld [tilespmem:s12+$0xFFFFFFC0];
	[tilespmem:s8+$0xFFFFFFE0] =	vst v2  }
0x6f: {  	v2 =	vld [tilespmem:s12+$0xFFFFFFD0];
	[tilespmem:s8+$0xFFFFFFF0] =	vst v3  }
0x70: {  	v3 =	vld [tilespmem:s12+$0xFFFFFFE0];
	[tilespmem:s8+$0xFFFFFF90] =	vst v5  }
0x71: {  	v5 =	vld [tilespmem:s12+$0xFFFFFFF0]  }
0x72: {  	v8 =	vld [tilespmem:s12+$0xFFFFFF90]  }
0x73: {  	v7 =	vld.idx.msk [tilespmem:v7+s30+$0x0], $0xffff  }
0x74: {  	v9 =	vld.idx.msk [tilespmem:v6+s30+$0x0], $0xffff  }
0x75: {  	v6 =	vld.idx.msk [tilespmem:v4+s30+$0x0], $0xffff  }
.Ltmp2:
0x76: {  	v4 =	vld.idx.msk [tilespmem:v1+s30+$0x0], $0xffff;
	(pc) =	sbr.rel @p0 .LBB2_7-.Ltmp2, $4  }
0x77: {  	v1 =	vld.idx.msk [tilespmem:v2+s30+$0x0], $0xffff  }
0x78: {  	s8 =	sadd.s32 $0x80, s8;
	v2 =	vld.idx.msk [tilespmem:v3+s30+$0x0], $0xffff  }
0x79: {  	v3 =	vld.idx.msk [tilespmem:v5+s30+$0x0], $0xffff;
	[tilespmem:s8+$0x0] =	vst v7  }
0x7a: {  	s12 =	sadd.s32 $0x80, s12;
	v5 =	vld.idx.msk [tilespmem:v8+s30+$0x0], $0xffff;
	[tilespmem:s8+$0xFFFFFFA0] =	vst v9  }
0x7b: {  	[tilespmem:s8+$0xFFFFFFB0] =	vst v6  }
0x7c: {  	[tilespmem:s8+$0xFFFFFFC0] =	vst v4  }
0x7d: {  	[tilespmem:s8+$0xFFFFFFD0] =	vst v1  }
0x7e: {  	[tilespmem:s8+$0xFFFFFFE0] =	vst v2  }
0x7f: {  	[tilespmem:s8+$0xFFFFFFF0] =	vst v3  }
0x80: {  	[tilespmem:s8+$0xFFFFFF90] =	vst v5  }
.LBB2_9:
0x81: {  	s8 =	sshra.s32 s30, $0x2  }
0x82: {  	v1 =	vld [tilespmem:s8+$0x1A720];
	_ =	sdelay $0x7  }
0x83: {  	p0 =	sne.s32 s30, $0x40;
	v1 =	vld.idx.msk [tilespmem:v1+s3+$0x0], $0xffff  }
.Ltmp3:
0x84: {  	_ = 	snop;
	(pc) =	sbr.rel @p0 .LBB2_9-.Ltmp3, $2  }
0x85: {  	_ =	sdelay $0x2  }
0x86: {  	s30 =	sadd.s32 $0x40, s30;
	[tilespmem:s8+$0x1E620] =	vst v1  }
0x87: {  	s1 =	sadd.s32 $0x1, s1  }
0x88: {  	p0 =	sne.s32 s1, $0xC  }
.Ltmp4:
0x89: {  	_ = 	snop;
	(pc) =	sbr.rel @p0 .LBB2_2-.Ltmp4, $3  }
0x8a: {  	_ =	sdelay $0x1  }
0x8b: {  	s2 =	sadd.s32 s7, s2  }
0x8c: {  	[hbm4b:s2+s3] =	stream.linear.scatter [tilespmem:s22], [sflag:$0x6], $0xFA0, $0x38;
	[tilespmem:$0x1E680] =	vst v63  }
0x8d: {  	_ =	swait.ge [sflag:s23], $0xFA0  }
0x8e: {  	[sflag:s23] =	ssyncset.done $0x0  }
0x8f: {  	[sflag:s23] =	ssyncadd.s32 $0xFFFFF060  }
0x90: {  	_ =	swait.ge [sflag:s19], $0xFA0  }
0x91: {  	[sflag:s19] =	ssyncset.done $0x0  }
0x92: {  	s1 =	simm.s32 $0x18840;
	[sflag:s19] =	ssyncadd.s32 $0xFFFFF060  }
0x93: {  	v1 =	vld [tilespmem:s1+$0x30]  }
0x94: {  	v2 =	vld [tilespmem:s1+$0xFFFFFFD0]  }
0x95: {  	v3 =	vld [tilespmem:s1+$0xFFFFFFE0]  }
0x96: {  	v4 =	vld [tilespmem:s1+$0xFFFFFFF0]  }
0x97: {  	v5 =	vld [tilespmem:s1+$0x0]  }
0x98: {  	v7 =	vld [tilespmem:s1+$0x10]  }
0x99: {  	v8 =	vld [tilespmem:s1+$0x20]  }
0x9a: {  	v9 =	vld [tilespmem:s1+$0xFFFFFFC0];
	s1 =	simm.s32 $0x0  }
0x9b: {  	v10 =	vld.idx.msk [tilespmem:v1+s1+$0x0], $0xffff  }
0x9c: {  	v11 =	vld.idx.msk [tilespmem:v2+s1+$0x0], $0xffff  }
0x9d: {  	v6 =	vld.idx.msk [tilespmem:v3+s1+$0x0], $0xffff  }
0x9e: {  	v4 =	vld.idx.msk [tilespmem:v4+s1+$0x0], $0xffff  }
0x9f: {  	v1 =	vld.idx.msk [tilespmem:v5+s1+$0x0], $0xffff  }
0xa0: {  	s2 =	simm.s32 $0x1C740;
	v2 =	vld.idx.msk [tilespmem:v7+s1+$0x0], $0xffff  }
0xa1: {  	v3 =	vld.idx.msk [tilespmem:v8+s1+$0x0], $0xffff;
	[tilespmem:s2+$0x30] =	vst v10  }
0xa2: {  	s8 =	simm.s32 $0x0;
	s11 =	simm.s32 $0x188C0;
	v5 =	vld.idx.msk [tilespmem:v9+s1+$0x0], $0xffff;
	[tilespmem:s2+$0xFFFFFFD0] =	vst v11  }
.LBB2_12:
0xa3: {  	v7 =	vld [tilespmem:s11+$0x30];
	s8 =	sadd.s32 $0x8, s8;
	[tilespmem:s2+$0xFFFFFFE0] =	vst v6  }
0xa4: {  	v6 =	vld [tilespmem:s11+$0xFFFFFFD0];
	p0 =	slt.u32 s8, $0xF0;
	[tilespmem:s2+$0xFFFFFFF0] =	vst v4  }
0xa5: {  	v4 =	vld [tilespmem:s11+$0xFFFFFFE0];
	[tilespmem:s2+$0x0] =	vst v1  }
0xa6: {  	v1 =	vld [tilespmem:s11+$0xFFFFFFF0];
	[tilespmem:s2+$0x10] =	vst v2  }
0xa7: {  	v2 =	vld [tilespmem:s11+$0x0];
	[tilespmem:s2+$0x20] =	vst v3  }
0xa8: {  	v3 =	vld [tilespmem:s11+$0x10];
	[tilespmem:s2+$0xFFFFFFC0] =	vst v5  }
0xa9: {  	v5 =	vld [tilespmem:s11+$0x20]  }
0xaa: {  	v8 =	vld [tilespmem:s11+$0xFFFFFFC0]  }
0xab: {  	v7 =	vld.idx.msk [tilespmem:v7+s1+$0x0], $0xffff  }
0xac: {  	v9 =	vld.idx.msk [tilespmem:v6+s1+$0x0], $0xffff  }
0xad: {  	v6 =	vld.idx.msk [tilespmem:v4+s1+$0x0], $0xffff  }
.Ltmp5:
0xae: {  	v4 =	vld.idx.msk [tilespmem:v1+s1+$0x0], $0xffff;
	(pc) =	sbr.rel @p0 .LBB2_12-.Ltmp5, $4  }
0xaf: {  	v1 =	vld.idx.msk [tilespmem:v2+s1+$0x0], $0xffff  }
0xb0: {  	s2 =	sadd.s32 $0x80, s2;
	v2 =	vld.idx.msk [tilespmem:v3+s1+$0x0], $0xffff  }
0xb1: {  	v3 =	vld.idx.msk [tilespmem:v5+s1+$0x0], $0xffff;
	[tilespmem:s2+$0x30] =	vst v7  }
0xb2: {  	s11 =	sadd.s32 $0x80, s11;
	v5 =	vld.idx.msk [tilespmem:v8+s1+$0x0], $0xffff;
	[tilespmem:s2+$0xFFFFFFD0] =	vst v9  }
0xb3: {  	[tilespmem:s2+$0xFFFFFFE0] =	vst v6  }
0xb4: {  	[tilespmem:s2+$0xFFFFFFF0] =	vst v4  }
0xb5: {  	[tilespmem:s2+$0x0] =	vst v1  }
0xb6: {  	[tilespmem:s2+$0x10] =	vst v2  }
0xb7: {  	[tilespmem:s2+$0x20] =	vst v3  }
0xb8: {  	[tilespmem:s2+$0xFFFFFFC0] =	vst v5  }
.LBB2_14:
0xb9: {  	s2 =	sshra.s32 s1, $0x2  }
0xba: {  	v1 =	vld [tilespmem:s2+$0x19780];
	_ =	sdelay $0x7  }
0xbb: {  	p0 =	sne.s32 s1, $0x40;
	v1 =	vld.idx.msk [tilespmem:v1+s3+$0x0], $0xffff  }
.Ltmp6:
0xbc: {  	_ = 	snop;
	(pc) =	sbr.rel @p0 .LBB2_14-.Ltmp6, $2  }
0xbd: {  	_ =	sdelay $0x2  }
0xbe: {  	s1 =	sadd.s32 $0x40, s1;
	[tilespmem:s2+$0x1D680] =	vst v1  }
0xbf: {  	s1 =	rddreg [dreg:$0x4]  }
0xc0: {  	[hbm4b:s1+s3] =	stream.linear.scatter [tilespmem:s20], [sflag:$0x5], $0xFA0, $0x38;
	[tilespmem:$0x1E680] =	vst v63  }
0xc1: {  	_ =	swait.ge [sflag:s24], $0xFA0  }
0xc2: {  	[sflag:s24] =	ssyncset.done $0x0  }
0xc3: {  	[sflag:s24] =	ssyncadd.s32 $0xFFFFF060  }
0xc4: {  	_ =	swait.ge [sflag:s23], $0xFA0  }
0xc5: {  	[sflag:s23] =	ssyncset.done $0x0  }
0xc6: {  	s1 =	simm.s32 $0x40;
	[sflag:s23] =	ssyncadd.s32 $0xFFFFF060  }
0xc7: {  	[tilespmem:s1+$0xFFFFFFC0] =	vst v0  }
0xc8: {  	[tilespmem:s1+$0x30] =	vst v0  }
0xc9: {  	[tilespmem:s1+$0x20] =	vst v0  }
0xca: {  	[tilespmem:s1+$0x10] =	vst v0  }
0xcb: {  	[tilespmem:s1+$0x0] =	vst v0  }
0xcc: {  	[tilespmem:s1+$0xFFFFFFF0] =	vst v0  }
0xcd: {  	s2 =	simm.s32 $0x0;
	[tilespmem:s1+$0xFFFFFFE0] =	vst v0  }
.LBB2_16:
0xce: {  	s2 =	sadd.s32 $0x8, s2;
	[tilespmem:s1+$0xFFFFFFD0] =	vst v0;
	s1 =	sadd.s32 $0x80, s1  }
0xcf: {  	[tilespmem:s1+$0xFFFFFFC0] =	vst v0;
	p0 =	slt.u32 s2, $0x1878  }
0xd0: {  	[tilespmem:s1+$0x30] =	vst v0  }
.Ltmp7:
0xd1: {  	[tilespmem:s1+$0x20] =	vst v0;
	(pc) =	sbr.rel @p0 .LBB2_16-.Ltmp7, $4  }
0xd2: {  	[tilespmem:s1+$0x10] =	vst v0  }
0xd3: {  	[tilespmem:s1+$0x0] =	vst v0  }
0xd4: {  	[tilespmem:s1+$0xFFFFFFF0] =	vst v0  }
0xd5: {  	[tilespmem:s1+$0xFFFFFFE0] =	vst v0  }
0xd6: {  	[tilespmem:s1+$0xFFFFFFD0] =	vst v0  }
0xd7: {  	s1 =	simm.s32 $0x0;
	s2 =	rddreg [dreg:$0x5]  }
0xd8: {  	[tilespmem:s17], [sflag:$0x1] =	stream.linear.gather [hbm4b:s2+s1], $0xFA0, $0x38;
	[tilespmem:$0x1E680] =	vst v63  }
0xd9: {  	s2 =	simm.s32 $0x0  }
0xda: {  	[tilespmem:s25], [sflag:$0x3] =	stream.linear.gather [hbm4b:s10+s1], $0xFA0, $0x38;
	[tilespmem:$0x1E680] =	vst v63  }
.LBB2_18:
0xdb: {  	s30 =	smul.u32 $0x1F40, s2;
	_ =	sdelay $0x1  }
0xdc: {  	s8 =	sadd.s32 s30, s13  }
0xdd: {  	s8 =	sshrl.u32 s8, $0x3  }
0xde: {  	s11 =	sadd.s32 s5, s8  }
0xdf: {  	[tilespmem:s18], [sflag:$0x2] =	stream.linear.gather [hbm4b:s11+s3], $0xFA0, $0x38;
	[tilespmem:$0x1E680] =	vst v63  }
0xe0: {  	s8 =	sadd.s32 s7, s8  }
0xe1: {  	[tilespmem:s26], [sflag:$0x4] =	stream.linear.gather [hbm4b:s8+s3], $0xFA0, $0x38;
	[tilespmem:$0x1E680] =	vst v63  }
0xe2: {  	_ =	swait.ge [sflag:s19], $0xFA0  }
0xe3: {  	[sflag:s19] =	ssyncset.done $0x0  }
0xe4: {  	[sflag:s19] =	ssyncadd.s32 $0xFFFFF060  }
0xe5: {  	_ =	swait.ge [sflag:s28], $0xFA0  }
0xe6: {  	[sflag:s28] =	ssyncset.done $0x0  }
0xe7: {  	s14 =	simm.s32 $0x18840;
	[sflag:s28] =	ssyncadd.s32 $0xFFFFF060  }
0xe8: {  	v1 =	vld [tilespmem:s14+$0x30]  }
0xe9: {  	v2 =	vld [tilespmem:s14+$0xFFFFFFD0]  }
0xea: {  	s31 =	simm.s32 $0x1A7C0;
	v3 =	vld [tilespmem:s14+$0xFFFFFFE0]  }
0xeb: {  	v4 =	vld [tilespmem:s31+$0x30]  }
0xec: {  	v5 =	vld [tilespmem:s14+$0xFFFFFFF0]  }
0xed: {  	v6 =	vld [tilespmem:s14+$0x0]  }
0xee: {  	v7 =	vld [tilespmem:s14+$0x10]  }
0xef: {  	v8 =	vld [tilespmem:s14+$0x20]  }
0xf0: {  	v63 =	vld [tilespmem:s31+$0xFFFFFFC0]  }
0xf1: {  	v9 =	vld [tilespmem:s31+$0xFFFFFFD0]  }
0xf2: {  	v10 =	vld [tilespmem:s31+$0xFFFFFFE0]  }
0xf3: {  	v11 =	vld [tilespmem:s31+$0xFFFFFFF0]  }
0xf4: {  	v12 =	vld [tilespmem:s31+$0x0]  }
0xf5: {  	v13 =	vld [tilespmem:s31+$0x10]  }
0xf6: {  	[tilespmem:v1+s1+$0x0] =	vst.idx.add.f32.msk $0xffff, v4  }
0xf7: {  	v1 =	vld [tilespmem:s14+$0xFFFFFFC0]  }
0xf8: {  	v14 =	vld [tilespmem:s31+$0x20]  }
0xf9: {  	[tilespmem:v2+s1+$0x0] =	vst.idx.add.f32.msk $0xffff, v9  }
0xfa: {  	[tilespmem:v3+s1+$0x0] =	vst.idx.add.f32.msk $0xffff, v10  }
0xfb: {  	[tilespmem:v5+s1+$0x0] =	vst.idx.add.f32.msk $0xffff, v11  }
0xfc: {  	[tilespmem:v6+s1+$0x0] =	vst.idx.add.f32.msk $0xffff, v12  }
0xfd: {  	[tilespmem:v7+s1+$0x0] =	vst.idx.add.f32.msk $0xffff, v13  }
0xfe: {  	[tilespmem:v8+s1+$0x0] =	vst.idx.add.f32.msk $0xffff, v14  }
0xff: {  	s11 =	simm.s32 $0x188C0;
	s8 =	simm.s32 $0x0;
	[tilespmem:v1+s1+$0x0] =	vst.idx.add.f32.msk $0xffff, v63  }
.LBB2_19:
0x100: {  	v1 =	vld [tilespmem:s11+$0x30];
	s8 =	sadd.s32 $0x8, s8  }
0x101: {  	v2 =	vld [tilespmem:s11+$0xFFFFFFD0];
	p0 =	slt.u32 s8, $0xF0  }
0x102: {  	s31 =	sadd.s32 $0x80, s31;
	v3 =	vld [tilespmem:s11+$0xFFFFFFE0]  }
0x103: {  	v4 =	vld [tilespmem:s31+$0x30]  }
0x104: {  	v5 =	vld [tilespmem:s11+$0xFFFFFFF0]  }
0x105: {  	v6 =	vld [tilespmem:s11+$0x0]  }
0x106: {  	v7 =	vld [tilespmem:s11+$0x10]  }
0x107: {  	s12 =	simm.s32 $0x0;
	v8 =	vld [tilespmem:s11+$0x20]  }
0x108: {  	[tilespmem:v1+s12+$0x0] =	vst.idx.add.f32.msk $0xffff, v4  }
0x109: {  	v1 =	vld [tilespmem:s11+$0xFFFFFFC0]  }
0x10a: {  	v4 =	vld [tilespmem:s31+$0xFFFFFFC0]  }
0x10b: {  	v9 =	vld [tilespmem:s31+$0xFFFFFFD0]  }
0x10c: {  	v10 =	vld [tilespmem:s31+$0xFFFFFFE0]  }
0x10d: {  	v11 =	vld [tilespmem:s31+$0xFFFFFFF0]  }
0x10e: {  	v12 =	vld [tilespmem:s31+$0x0]  }
0x10f: {  	v13 =	vld [tilespmem:s31+$0x10]  }
0x110: {  	v14 =	vld [tilespmem:s31+$0x20]  }
0x111: {  	[tilespmem:v1+s12+$0x0] =	vst.idx.add.f32.msk $0xffff, v4  }
0x112: {  	[tilespmem:v2+s12+$0x0] =	vst.idx.add.f32.msk $0xffff, v9  }
.Ltmp8:
0x113: {  	[tilespmem:v3+s12+$0x0] =	vst.idx.add.f32.msk $0xffff, v10;
	(pc) =	sbr.rel @p0 .LBB2_19-.Ltmp8, $4  }
0x114: {  	[tilespmem:v5+s12+$0x0] =	vst.idx.add.f32.msk $0xffff, v11  }
0x115: {  	[tilespmem:v6+s12+$0x0] =	vst.idx.add.f32.msk $0xffff, v12  }
0x116: {  	[tilespmem:v7+s12+$0x0] =	vst.idx.add.f32.msk $0xffff, v13  }
0x117: {  	s11 =	sadd.s32 $0x80, s11;
	[tilespmem:v8+s12+$0x0] =	vst.idx.add.f32.msk $0xffff, v14  }
.LBB2_20:
0x118: {  	s8 =	sshra.s32 s12, $0x2  }
0x119: {  	v1 =	vld [tilespmem:s8+$0x19780];
	_ =	sdelay $0x2  }
0x11a: {  	p0 =	sne.s32 s12, $0x40;
	v2 =	vld [tilespmem:s8+$0x1B700]  }
.Ltmp9:
0x11b: {  	_ = 	snop;
	(pc) =	sbr.rel @p0 .LBB2_20-.Ltmp9, $2  }
0x11c: {  	_ =	sdelay $0x2  }
0x11d: {  	s12 =	sadd.s32 $0x40, s12;
	[tilespmem:v1+s3+$0x0] =	vst.idx.add.f32.msk $0xffff, v2  }
0x11e: {  	s8 =	sadd.s32 s30, s9  }
0x11f: {  	s8 =	sshrl.u32 s8, $0x3  }
0x120: {  	s11 =	sadd.s32 s5, s8  }
0x121: {  	[tilespmem:s17], [sflag:$0x1] =	stream.linear.gather [hbm4b:s11+s3], $0xFA0, $0x38;
	[tilespmem:$0x1E680] =	vst v63  }
0x122: {  	s8 =	sadd.s32 s7, s8  }
0x123: {  	[tilespmem:s25], [sflag:$0x3] =	stream.linear.gather [hbm4b:s8+s3], $0xFA0, $0x38;
	[tilespmem:$0x1E680] =	vst v63  }
0x124: {  	_ =	swait.ge [sflag:s21], $0xFA0  }
0x125: {  	[sflag:s21] =	ssyncset.done $0x0  }
0x126: {  	[sflag:s21] =	ssyncadd.s32 $0xFFFFF060  }
0x127: {  	_ =	swait.ge [sflag:s29], $0xFA0  }
0x128: {  	[sflag:s29] =	ssyncset.done $0x0  }
0x129: {  	s14 =	simm.s32 $0x19810;
	[sflag:s29] =	ssyncadd.s32 $0xFFFFF060  }
0x12a: {  	v1 =	vld [tilespmem:s14+$0x0]  }
0x12b: {  	v2 =	vld [tilespmem:s14+$0xFFFFFFA0]  }
0x12c: {  	s31 =	simm.s32 $0x1B790;
	v3 =	vld [tilespmem:s14+$0xFFFFFFB0]  }
0x12d: {  	v4 =	vld [tilespmem:s31+$0x0]  }
0x12e: {  	v5 =	vld [tilespmem:s14+$0xFFFFFFC0]  }
0x12f: {  	v6 =	vld [tilespmem:s14+$0xFFFFFFD0]  }
0x130: {  	v7 =	vld [tilespmem:s14+$0xFFFFFFE0]  }
0x131: {  	v8 =	vld [tilespmem:s14+$0xFFFFFFF0]  }
0x132: {  	v63 =	vld [tilespmem:s31+$0xFFFFFF90]  }
0x133: {  	v9 =	vld [tilespmem:s31+$0xFFFFFFA0]  }
0x134: {  	v10 =	vld [tilespmem:s31+$0xFFFFFFB0]  }
0x135: {  	v11 =	vld [tilespmem:s31+$0xFFFFFFC0]  }
0x136: {  	v12 =	vld [tilespmem:s31+$0xFFFFFFD0]  }
0x137: {  	s30 =	simm.s32 $0x0;
	v13 =	vld [tilespmem:s31+$0xFFFFFFE0]  }
0x138: {  	[tilespmem:v1+s30+$0x0] =	vst.idx.add.f32.msk $0xffff, v4  }
0x139: {  	v1 =	vld [tilespmem:s14+$0xFFFFFF90]  }
0x13a: {  	v14 =	vld [tilespmem:s31+$0xFFFFFFF0]  }
0x13b: {  	[tilespmem:v2+s30+$0x0] =	vst.idx.add.f32.msk $0xffff, v9  }
0x13c: {  	[tilespmem:v3+s30+$0x0] =	vst.idx.add.f32.msk $0xffff, v10  }
0x13d: {  	[tilespmem:v5+s30+$0x0] =	vst.idx.add.f32.msk $0xffff, v11  }
0x13e: {  	[tilespmem:v6+s30+$0x0] =	vst.idx.add.f32.msk $0xffff, v12  }
0x13f: {  	[tilespmem:v7+s30+$0x0] =	vst.idx.add.f32.msk $0xffff, v13  }
0x140: {  	[tilespmem:v8+s30+$0x0] =	vst.idx.add.f32.msk $0xffff, v14  }
0x141: {  	s11 =	simm.s32 $0x19890;
	s8 =	simm.s32 $0x0;
	[tilespmem:v1+s30+$0x0] =	vst.idx.add.f32.msk $0xffff, v63  }
.LBB2_22:
0x142: {  	v1 =	vld [tilespmem:s11+$0x0];
	s8 =	sadd.s32 $0x8, s8  }
0x143: {  	v2 =	vld [tilespmem:s11+$0xFFFFFFA0];
	p0 =	slt.u32 s8, $0xF0  }
0x144: {  	s31 =	sadd.s32 $0x80, s31;
	v3 =	vld [tilespmem:s11+$0xFFFFFFB0]  }
0x145: {  	v4 =	vld [tilespmem:s31+$0x0]  }
0x146: {  	v5 =	vld [tilespmem:s11+$0xFFFFFFC0]  }
0x147: {  	v6 =	vld [tilespmem:s11+$0xFFFFFFD0]  }
0x148: {  	v7 =	vld [tilespmem:s11+$0xFFFFFFE0]  }
0x149: {  	v8 =	vld [tilespmem:s11+$0xFFFFFFF0]  }
0x14a: {  	[tilespmem:v1+s30+$0x0] =	vst.idx.add.f32.msk $0xffff, v4  }
0x14b: {  	v1 =	vld [tilespmem:s11+$0xFFFFFF90]  }
0x14c: {  	v4 =	vld [tilespmem:s31+$0xFFFFFF90]  }
0x14d: {  	v9 =	vld [tilespmem:s31+$0xFFFFFFA0]  }
0x14e: {  	v10 =	vld [tilespmem:s31+$0xFFFFFFB0]  }
0x14f: {  	v11 =	vld [tilespmem:s31+$0xFFFFFFC0]  }
0x150: {  	v12 =	vld [tilespmem:s31+$0xFFFFFFD0]  }
0x151: {  	v13 =	vld [tilespmem:s31+$0xFFFFFFE0]  }
0x152: {  	v14 =	vld [tilespmem:s31+$0xFFFFFFF0]  }
0x153: {  	[tilespmem:v1+s30+$0x0] =	vst.idx.add.f32.msk $0xffff, v4  }
0x154: {  	[tilespmem:v2+s30+$0x0] =	vst.idx.add.f32.msk $0xffff, v9  }
.Ltmp10:
0x155: {  	[tilespmem:v3+s30+$0x0] =	vst.idx.add.f32.msk $0xffff, v10;
	(pc) =	sbr.rel @p0 .LBB2_22-.Ltmp10, $4  }
0x156: {  	[tilespmem:v5+s30+$0x0] =	vst.idx.add.f32.msk $0xffff, v11  }
0x157: {  	[tilespmem:v6+s30+$0x0] =	vst.idx.add.f32.msk $0xffff, v12  }
0x158: {  	[tilespmem:v7+s30+$0x0] =	vst.idx.add.f32.msk $0xffff, v13  }
0x159: {  	s11 =	sadd.s32 $0x80, s11;
	[tilespmem:v8+s30+$0x0] =	vst.idx.add.f32.msk $0xffff, v14  }
.LBB2_23:
0x15a: {  	s8 =	sshra.s32 s30, $0x2  }
0x15b: {  	v1 =	vld [tilespmem:s8+$0x1A720];
	_ =	sdelay $0x2  }
0x15c: {  	p0 =	sne.s32 s30, $0x40;
	v2 =	vld [tilespmem:s8+$0x1C6A0]  }
.Ltmp11:
0x15d: {  	_ = 	snop;
	(pc) =	sbr.rel @p0 .LBB2_23-.Ltmp11, $2  }
0x15e: {  	_ =	sdelay $0x2  }
0x15f: {  	s30 =	sadd.s32 $0x40, s30;
	[tilespmem:v1+s3+$0x0] =	vst.idx.add.f32.msk $0xffff, v2  }
0x160: {  	s2 =	sadd.s32 $0x1, s2  }
0x161: {  	p0 =	sne.s32 s2, $0xC  }
.Ltmp12:
0x162: {  	_ = 	snop;
	(pc) =	sbr.rel @p0 .LBB2_18-.Ltmp12, $1  }
0x163: {  	_ =	sdelay $0x3  }
0x164: {  	_ =	swait.ge [sflag:s19], $0xFA0  }
0x165: {  	[sflag:s19] =	ssyncset.done $0x0  }
0x166: {  	[sflag:s19] =	ssyncadd.s32 $0xFFFFF060  }
0x167: {  	_ =	swait.ge [sflag:s28], $0xFA0  }
0x168: {  	[sflag:s28] =	ssyncset.done $0x0  }
0x169: {  	s8 =	simm.s32 $0x18840;
	[sflag:s28] =	ssyncadd.s32 $0xFFFFF060  }
0x16a: {  	v1 =	vld [tilespmem:s8+$0x30]  }
0x16b: {  	v2 =	vld [tilespmem:s8+$0xFFFFFFD0]  }
0x16c: {  	s2 =	simm.s32 $0x1A7C0;
	v3 =	vld [tilespmem:s8+$0xFFFFFFE0]  }
0x16d: {  	v4 =	vld [tilespmem:s2+$0x30]  }
0x16e: {  	v5 =	vld [tilespmem:s8+$0xFFFFFFF0]  }
0x16f: {  	v6 =	vld [tilespmem:s8+$0x0]  }
0x170: {  	v7 =	vld [tilespmem:s8+$0x10]  }
0x171: {  	v8 =	vld [tilespmem:s8+$0x20]  }
0x172: {  	v63 =	vld [tilespmem:s2+$0xFFFFFFC0]  }
0x173: {  	v9 =	vld [tilespmem:s2+$0xFFFFFFD0]  }
0x174: {  	v10 =	vld [tilespmem:s2+$0xFFFFFFE0]  }
0x175: {  	v11 =	vld [tilespmem:s2+$0xFFFFFFF0]  }
0x176: {  	v12 =	vld [tilespmem:s2+$0x0]  }
0x177: {  	s1 =	simm.s32 $0x0;
	v13 =	vld [tilespmem:s2+$0x10]  }
0x178: {  	[tilespmem:v1+s1+$0x0] =	vst.idx.add.f32.msk $0xffff, v4  }
0x179: {  	v1 =	vld [tilespmem:s8+$0xFFFFFFC0]  }
0x17a: {  	v14 =	vld [tilespmem:s2+$0x20]  }
0x17b: {  	[tilespmem:v2+s1+$0x0] =	vst.idx.add.f32.msk $0xffff, v9  }
0x17c: {  	[tilespmem:v3+s1+$0x0] =	vst.idx.add.f32.msk $0xffff, v10  }
0x17d: {  	[tilespmem:v5+s1+$0x0] =	vst.idx.add.f32.msk $0xffff, v11  }
0x17e: {  	[tilespmem:v6+s1+$0x0] =	vst.idx.add.f32.msk $0xffff, v12  }
0x17f: {  	[tilespmem:v7+s1+$0x0] =	vst.idx.add.f32.msk $0xffff, v13  }
0x180: {  	[tilespmem:v8+s1+$0x0] =	vst.idx.add.f32.msk $0xffff, v14  }
0x181: {  	s11 =	simm.s32 $0x188C0;
	s8 =	simm.s32 $0x0;
	[tilespmem:v1+s1+$0x0] =	vst.idx.add.f32.msk $0xffff, v63  }
.LBB2_26:
0x182: {  	v1 =	vld [tilespmem:s11+$0x30];
	s8 =	sadd.s32 $0x8, s8  }
0x183: {  	v2 =	vld [tilespmem:s11+$0xFFFFFFD0];
	p0 =	slt.u32 s8, $0xF0  }
0x184: {  	s2 =	sadd.s32 $0x80, s2;
	v3 =	vld [tilespmem:s11+$0xFFFFFFE0]  }
0x185: {  	v4 =	vld [tilespmem:s2+$0x30]  }
0x186: {  	v5 =	vld [tilespmem:s11+$0xFFFFFFF0]  }
0x187: {  	v6 =	vld [tilespmem:s11+$0x0]  }
0x188: {  	v7 =	vld [tilespmem:s11+$0x10]  }
0x189: {  	v8 =	vld [tilespmem:s11+$0x20]  }
0x18a: {  	[tilespmem:v1+s1+$0x0] =	vst.idx.add.f32.msk $0xffff, v4  }
0x18b: {  	v1 =	vld [tilespmem:s11+$0xFFFFFFC0]  }
0x18c: {  	v4 =	vld [tilespmem:s2+$0xFFFFFFC0]  }
0x18d: {  	v9 =	vld [tilespmem:s2+$0xFFFFFFD0]  }
0x18e: {  	v10 =	vld [tilespmem:s2+$0xFFFFFFE0]  }
0x18f: {  	v11 =	vld [tilespmem:s2+$0xFFFFFFF0]  }
0x190: {  	v12 =	vld [tilespmem:s2+$0x0]  }
0x191: {  	v13 =	vld [tilespmem:s2+$0x10]  }
0x192: {  	v14 =	vld [tilespmem:s2+$0x20]  }
0x193: {  	[tilespmem:v1+s1+$0x0] =	vst.idx.add.f32.msk $0xffff, v4  }
0x194: {  	[tilespmem:v2+s1+$0x0] =	vst.idx.add.f32.msk $0xffff, v9  }
.Ltmp13:
0x195: {  	[tilespmem:v3+s1+$0x0] =	vst.idx.add.f32.msk $0xffff, v10;
	(pc) =	sbr.rel @p0 .LBB2_26-.Ltmp13, $4  }
0x196: {  	[tilespmem:v5+s1+$0x0] =	vst.idx.add.f32.msk $0xffff, v11  }
0x197: {  	[tilespmem:v6+s1+$0x0] =	vst.idx.add.f32.msk $0xffff, v12  }
0x198: {  	[tilespmem:v7+s1+$0x0] =	vst.idx.add.f32.msk $0xffff, v13  }
0x199: {  	s11 =	sadd.s32 $0x80, s11;
	[tilespmem:v8+s1+$0x0] =	vst.idx.add.f32.msk $0xffff, v14  }
.LBB2_27:
0x19a: {  	s2 =	sshra.s32 s1, $0x2  }
0x19b: {  	v1 =	vld [tilespmem:s2+$0x19780];
	_ =	sdelay $0x2  }
0x19c: {  	p0 =	sne.s32 s1, $0x40;
	v2 =	vld [tilespmem:s2+$0x1B700]  }
.Ltmp14:
0x19d: {  	_ = 	snop;
	(pc) =	sbr.rel @p0 .LBB2_27-.Ltmp14, $2  }
0x19e: {  	_ =	sdelay $0x2  }
0x19f: {  	s1 =	sadd.s32 $0x40, s1;
	[tilespmem:v1+s3+$0x0] =	vst.idx.add.f32.msk $0xffff, v2  }
0x1a0: {  	s0 =	sadd.s32 $0x1, s0  }
0x1a1: {  	s1 =	rddreg [dreg:$0x6];
	p0 =	sne.s32 s0, s15  }
.Ltmp15:
0x1a2: {  	s2 =	simm.s32 $0x80;
	s8 =	simm.s32 $0x400;
	(pc) =	sbr.rel @p0 .LBB2_1-.Ltmp15, $4  }
0x1a3: {  	[hbm4b:s1+s2] =	stream.strided.scatter [tilespmem:s3], [sflag:$0x7], $0x18800, s8, s2, $0x38;
	[tilespmem:$0x1E680] =	vst v63  }
0x1a4: {  	_ =	swait.ge [sflag:s16], $0x18800  }
0x1a5: {  	[sflag:s16] =	ssyncset.done $0x0  }
0x1a6: {  	[sflag:s16] =	ssyncadd.s32 $0xFFFE7800  }
0x1a7: {  	_ =	sfence.sel $0x180000  }
0x1a8: {  	[bflag:$0x0] =	sbarrier.arrive $0xFFFF  }
0x1a9: {  	_ =	strace $0x9000004A  }
0x1aa: {  	s0 =	stileid.u32;
	[bflag:$0x2] =	sbarrier.arrive $0xFFFF  }
0x1ab: {  	p0 =	sne.s32 s0, $0x0;
	s0 =	rddreg [dreg:$0x2]  }
0x1ac: {  	s0 =	sadd.s32 @!p0 $0x100000, s0  }
0x1ad: {  	[sflag:s0] =	ssyncadd.tile.s32 @!p0 $0x1;
	_ =	shalt  }
.Lfunc_end2:
_tile_overlayer_lowered:
.L_overlay_start_2:
0x1ae: {  	(tag) =	ssettag $0x2  }
0x1af: {  	s0 =	rddreg [dreg:$0x0];
	s2 =	stileid.u32  }
0x1b0: {  	s1 =	rddreg [dreg:$0x1];
	p0 =	sne.s32 s2, $0x0  }
0x1b1: {  	s3 =	rddreg [dreg:$0x2];
	[bflag:$0x3] =	sbarrier.arrive $0xFFFF;
	s2 =	simm.s32 @!p0 $0x1C07  }
0x1b2: {  	[timem:s3], [sflag:s2] =	dma.local @!p0 [hbm:s0], s1  }
0x1b3: {  	s0 =	simm.s32 @!p0 $0x7  }
0x1b4: {  	_ =	swait.ge @!p0 [sflag:s0], s1  }
0x1b5: {  	s1 =	ssub.s32 @!p0 $0x0, s1;
	[sflag:s0] =	ssyncset.done @!p0 $0x0  }
0x1b6: {  	[sflag:s0] =	ssyncadd.s32 @!p0 s1  }
0x1b7: {  	[bflag:$0x3] =	sbarrier.arrive $0xFFFF  }
0x1b8: {  	_ =	shalt  }

</sc_bundles>
